<compile_context>
chip_gen: v7x
topology: tpu7x:2x2x1
jax: 0.10.2.dev20260603
libtpu: 0.0.44.dev20260713+nightly
codegen_flags: <defaults>
</compile_context>

<pallas_src>
import jax
import jax.numpy as jnp
from jax import lax
from jax.experimental import pallas as pl
from jax.experimental.pallas import tpu as pltpu
from jax.experimental.pallas import tpu_sc as plsc

_NUM_ENT = 11757
_D = 128
_B_TOTAL = 1024 * 5 * 2

_NW = 32
_PER_W = _B_TOTAL // _NW
_CHUNK = 80
_NCHUNK = _PER_W // _CHUNK



def _proj_body(struct_ref, img_ref, txt_ref, wimg_ref, bimg_ref, wtxt_ref,
               btxt_ref, pimg_ref, ptxt_ref, fused_ref):
    pimg = jnp.dot(img_ref[...], wimg_ref[...],
                   preferred_element_type=jnp.float32) + bimg_ref[...]
    ptxt = jnp.dot(txt_ref[...], wtxt_ref[...],
                   preferred_element_type=jnp.float32) + btxt_ref[...]
    pimg_ref[...] = pimg
    ptxt_ref[...] = ptxt
    fused_ref[...] = struct_ref[...] + pimg + ptxt


def _project_tables(emb_struct, emb_image, emb_text, W_img, b_img, W_txt, b_txt):
    rb = 512
    grid = (pl.cdiv(_NUM_ENT, rb),)
    img_dim = emb_image.shape[1]
    txt_dim = emb_text.shape[1]
    out_sds = jax.ShapeDtypeStruct((_NUM_ENT, _D), jnp.float32)
    return pl.pallas_call(
        _proj_body,
        grid=grid,
        in_specs=[
            pl.BlockSpec((rb, _D), lambda i: (i, 0)),
            pl.BlockSpec((rb, img_dim), lambda i: (i, 0)),
            pl.BlockSpec((rb, txt_dim), lambda i: (i, 0)),
            pl.BlockSpec((img_dim, _D), lambda i: (0, 0)),
            pl.BlockSpec((1, _D), lambda i: (0, 0)),
            pl.BlockSpec((txt_dim, _D), lambda i: (0, 0)),
            pl.BlockSpec((1, _D), lambda i: (0, 0)),
        ],
        out_specs=[
            pl.BlockSpec((rb, _D), lambda i: (i, 0)),
            pl.BlockSpec((rb, _D), lambda i: (i, 0)),
            pl.BlockSpec((rb, _D), lambda i: (i, 0)),
        ],
        out_shape=[out_sds, out_sds, out_sds],
        compiler_params=pltpu.CompilerParams(
            dimension_semantics=("arbitrary",),
        ),
    )(emb_struct, emb_image, emb_text, W_img, b_img.reshape(1, _D),
      W_txt, b_txt.reshape(1, _D))



def _gather_body(fused_hbm, struct_hbm, pimg_hbm, ptxt_hbm, idx_hbm,
                 out_c, out_s, out_i, out_t,
                 idx_v, b00, b01, b02, b03, b10, b11, b12, b13,
                 gsem, wsem):
    wid = lax.axis_index("s") * 2 + lax.axis_index("c")
    base = wid * _PER_W
    pltpu.sync_copy(idx_hbm.at[wid], idx_v)
    bufs = ((b00, b01, b02, b03), (b10, b11, b12, b13))
    tabs = (fused_hbm, struct_hbm, pimg_hbm, ptxt_hbm)
    outs = (out_c, out_s, out_i, out_t)

    def start_gathers(c):
        bs = bufs[c % 2]
        idxs = idx_v.at[c]
        return [pltpu.async_copy(t.at[idxs], b, gsem)
                for t, b in zip(tabs, bs)]

    def start_writes(c):
        bs = bufs[c % 2]
        o = base + c * _CHUNK
        return [pltpu.async_copy(b, out.at[pl.ds(o, _CHUNK)], wsem)
                for b, out in zip(bs, outs)]

    gaths = start_gathers(0)
    writes = [None, None]
    for c in range(_NCHUNK):
        for cp in gaths:
            cp.wait()
        if c + 1 < _NCHUNK:
            if writes[(c + 1) % 2] is not None:
                for cp in writes[(c + 1) % 2]:
                    cp.wait()
            gaths = start_gathers(c + 1)
        writes[c % 2] = start_writes(c)
    for ws in writes:
        if ws is not None:
            for cp in ws:
                cp.wait()


def _gather_tables(fused, struct, pimg, ptxt, idx3):
    out_sds = jax.ShapeDtypeStruct((_B_TOTAL, _D), jnp.float32)
    row = pltpu.VMEM((_CHUNK, _D), jnp.float32)
    kern = pl.kernel(
        _gather_body,
        mesh=plsc.VectorSubcoreMesh(core_axis_name="c", subcore_axis_name="s"),
        out_type=[out_sds, out_sds, out_sds, out_sds],
        scratch_types=[
            pltpu.VMEM((_NCHUNK, _CHUNK), jnp.int32),
            row, row, row, row, row, row, row, row,
            pltpu.SemaphoreType.DMA,
            pltpu.SemaphoreType.DMA,
        ],
    )
    return kern(fused, struct, pimg, ptxt, idx3)


def kernel(idx, emb_struct, emb_image, emb_text, W_img, b_img, W_txt, b_txt):
    pimg, ptxt, fused = _project_tables(
        emb_struct, emb_image, emb_text, W_img, b_img, W_txt, b_txt)
    idx3 = idx.astype(jnp.int32).reshape(_NW, _NCHUNK, _CHUNK)
    out_c, out_s, out_i, out_t = _gather_tables(fused, emb_struct, pimg, ptxt, idx3)
    shp = (*idx.shape, _D)
    return (out_c.reshape(shp), out_s.reshape(shp),
            out_i.reshape(shp), out_t.reshape(shp))

# --- scband reference (transcript-rebuilt; emitter-appended) ---
"""Pipeline reference for scband-embedding-28132035789313 (READ-ONLY COPY).

The authoritative reference and input builder live on the scoring server;
editing this copy changes nothing except your own understanding.
"""

import jax, jax.numpy as jnp
import numpy as np

NUM_ENT = 11757
EMBED_DIM = 128
IMG_DIM = 4096
TXT_DIM = 1000
B, FEW = 1024, 5


def setup_inputs(seed: int = 0) -> dict:
    key = jax.random.key(seed)
    ks = jax.random.split(key, 8)
    idx = jax.random.randint(ks[0], (B, FEW, 2), 0, NUM_ENT, dtype=jnp.int64 if jax.config.jax_enable_x64 else jnp.int32)
    emb_struct = jax.random.normal(ks[1], (NUM_ENT, EMBED_DIM), dtype=jnp.float32) * 0.02
    emb_image = jax.random.normal(ks[2], (NUM_ENT, IMG_DIM), dtype=jnp.float32) * 0.02
    emb_text = jax.random.normal(ks[3], (NUM_ENT, TXT_DIM), dtype=jnp.float32) * 0.02
    W_img = jax.random.normal(ks[4], (IMG_DIM, EMBED_DIM), dtype=jnp.float32) * (1.0 / np.sqrt(IMG_DIM))
    b_img = jnp.zeros((EMBED_DIM,), dtype=jnp.float32)
    W_txt = jax.random.normal(ks[5], (TXT_DIM, EMBED_DIM), dtype=jnp.float32) * (1.0 / np.sqrt(TXT_DIM))
    b_txt = jnp.zeros((EMBED_DIM,), dtype=jnp.float32)
    return {"idx": idx, "emb_struct": emb_struct, "emb_image": emb_image, "emb_text": emb_text,
            "W_img": W_img, "b_img": b_img, "W_txt": W_txt, "b_txt": b_txt}


def reference(idx, emb_struct, emb_image, emb_text, W_img, b_img, W_txt, b_txt):
    # structural_embedding = self.embedding(idx)
    structural_embedding = jnp.take(emb_struct, idx, axis=0)            # [B, FEW, 2, 128]
    # image_modality = adapter_image(self.image(idx))  (adapter = linear 4096->128)
    image_gather = jnp.take(emb_image, idx, axis=0)                     # [B, FEW, 2, 4096]
    image_modality = image_gather @ W_img + b_img                       # [B, FEW, 2, 128]
    # text_modality = adapter_text(self.text(idx))     (adapter = linear 1000->128)
    text_gather = jnp.take(emb_text, idx, axis=0)                       # [B, FEW, 2, 1000]
    text_modality = text_gather @ W_txt + b_txt                         # [B, FEW, 2, 128]
    combined_embedding = structural_embedding + image_modality + text_modality
    return (combined_embedding, structural_embedding, image_modality, text_modality)

if __name__ == "__main__":
    import jax
    _d = setup_inputs()
    print(jax.jit(kernel)(*tuple(_d.values())))

</pallas_src>

<mosaic_0001>
#map = affine_map<(d0, d1) -> (0, 0)>
#map1 = affine_map<(d0, d1) -> (0, 0, 0)>
module attributes {stable_mosaic.version = 14 : i64} {
  func.func @_gather_body(%arg0: i32, %arg1: i32, %arg2: memref<11757x128xf32, #tpu.memory_space<hbm>>, %arg3: memref<11757x128xf32, #tpu.memory_space<hbm>>, %arg4: memref<11757x128xf32, #tpu.memory_space<hbm>>, %arg5: memref<11757x128xf32, #tpu.memory_space<hbm>>, %arg6: memref<32x4x80xi32, #tpu.memory_space<hbm>>, %arg7: memref<10240x128xf32, #tpu.memory_space<hbm>>, %arg8: memref<10240x128xf32, #tpu.memory_space<hbm>>, %arg9: memref<10240x128xf32, #tpu.memory_space<hbm>>, %arg10: memref<10240x128xf32, #tpu.memory_space<hbm>>, %arg11: memref<4x80xi32, #tpu.memory_space<vmem>>, %arg12: memref<80x128xf32, #tpu.memory_space<vmem>>, %arg13: memref<80x128xf32, #tpu.memory_space<vmem>>, %arg14: memref<80x128xf32, #tpu.memory_space<vmem>>, %arg15: memref<80x128xf32, #tpu.memory_space<vmem>>, %arg16: memref<80x128xf32, #tpu.memory_space<vmem>>, %arg17: memref<80x128xf32, #tpu.memory_space<vmem>>, %arg18: memref<80x128xf32, #tpu.memory_space<vmem>>, %arg19: memref<80x128xf32, #tpu.memory_space<vmem>>, %arg20: memref<!tpu.dma_semaphore, #tpu.memory_space<semaphore_mem>>, %arg21: memref<!tpu.dma_semaphore, #tpu.memory_space<semaphore_mem>>) attributes {dimension_semantics = [#tpu.dimension_semantics<core_parallel>, #tpu.dimension_semantics<subcore_parallel>], iteration_bounds = array<i64: 2, 16>, scalar_prefetch = 0 : i64, scratch_operands = 11 : i64, tpu.core_type = #tpu.core_type<sc_vector_subcore>, window_params = [{transform_indices = #map}, {transform_indices = #map}, {transform_indices = #map}, {transform_indices = #map}, {transform_indices = #map1}, {transform_indices = #map}, {transform_indices = #map}, {transform_indices = #map}, {transform_indices = #map}]} {
    %mul3A = arith.constant 2 : i32
    %mul3A_0 = arith.muli %arg1, %mul3A : i32
    %add3A = arith.addi %mul3A_0, %arg0 : i32
    %mul3A_1 = arith.constant 320 : i32
    %mul3A_2 = arith.muli %add3A, %mul3A_1 : i32
    "tpu.region"() ({
      %run_scoped3A = tpu.sem_alloc : memref<!tpu.dma_semaphore, #tpu.memory_space<semaphore_mem>>
      %dma_start3A_361 = arith.constant 0 : i32
      %dma_start3A_362 = arith.constant 0 : i32
      %dma_start3A_363 = tpu.memref_slice %arg6[%add3A, %dma_start3A_361, %dma_start3A_362] : memref<32x4x80xi32, #tpu.memory_space<hbm>> -> memref<1x4x80xi32, #tpu.memory_space<hbm>>
      %dma_start3A_364 = tpu.memref_squeeze %dma_start3A_363 : memref<1x4x80xi32, #tpu.memory_space<hbm>> -> memref<4x80xi32, #tpu.memory_space<hbm>>
      %dma_start3A_365 = arith.constant 0 : i32
      %dma_start3A_366 = arith.constant 0 : i32
      %dma_start3A_367 = tpu.memref_slice %arg6[%add3A, %dma_start3A_365, %dma_start3A_366] : memref<32x4x80xi32, #tpu.memory_space<hbm>> -> memref<1x4x80xi32, #tpu.memory_space<hbm>>
      %dma_start3A_368 = tpu.memref_squeeze %dma_start3A_367 : memref<1x4x80xi32, #tpu.memory_space<hbm>> -> memref<4x80xi32, #tpu.memory_space<hbm>>
      tpu.enqueue_dma source(%dma_start3A_368 : memref<4x80xi32, #tpu.memory_space<hbm>>) target(%arg11 : memref<4x80xi32, #tpu.memory_space<vmem>>) target_semaphore(%run_scoped3A : memref<!tpu.dma_semaphore, #tpu.memory_space<semaphore_mem>>)
      %dma_wait3A_369 = arith.constant 0 : i32
      %dma_wait3A_370 = arith.constant 0 : i32
      %dma_wait3A_371 = tpu.memref_slice %arg6[%add3A, %dma_wait3A_369, %dma_wait3A_370] : memref<32x4x80xi32, #tpu.memory_space<hbm>> -> memref<1x4x80xi32, #tpu.memory_space<hbm>>
      %dma_wait3A_372 = tpu.memref_squeeze %dma_wait3A_371 : memref<1x4x80xi32, #tpu.memory_space<hbm>> -> memref<4x80xi32, #tpu.memory_space<hbm>>
      %dma_wait3A_373 = arith.constant 0 : i32
      %dma_wait3A_374 = arith.constant 0 : i32
      %dma_wait3A_375 = tpu.memref_slice %arg6[%add3A, %dma_wait3A_373, %dma_wait3A_374] : memref<32x4x80xi32, #tpu.memory_space<hbm>> -> memref<1x4x80xi32, #tpu.memory_space<hbm>>
      %dma_wait3A_376 = tpu.memref_squeeze %dma_wait3A_375 : memref<1x4x80xi32, #tpu.memory_space<hbm>> -> memref<4x80xi32, #tpu.memory_space<hbm>>
      tpu.wait_dma2 semaphore(%run_scoped3A : memref<!tpu.dma_semaphore, #tpu.memory_space<semaphore_mem>>) src(%dma_wait3A_376 : memref<4x80xi32, #tpu.memory_space<hbm>>) dst(%arg11 : memref<4x80xi32, #tpu.memory_space<vmem>>)
      tpu.yield
    }) : () -> ()
    %dma_start3A = arith.constant 0 : i32
    %dma_start3A_3 = arith.constant 0 : i32
    %dma_start3A_4 = tpu.memref_slice %arg11[%dma_start3A, %dma_start3A_3] : memref<4x80xi32, #tpu.memory_space<vmem>> -> memref<1x80xi32, #tpu.memory_space<vmem>>
    %dma_start3A_5 = tpu.memref_squeeze %dma_start3A_4 : memref<1x80xi32, #tpu.memory_space<vmem>> -> memref<80xi32, #tpu.memory_space<vmem>>
    %dma_start3A_6 = arith.constant 0 : i32
    %dma_start3A_7 = arith.constant 0 : i32
    %dma_start3A_8 = tpu.memref_slice %arg2[%dma_start3A_6, %dma_start3A_7] : memref<11757x128xf32, #tpu.memory_space<hbm>> -> memref<11757x128xf32, #tpu.memory_space<hbm>>
    tpu.enqueue_indirect_dma source(%dma_start3A_8 : memref<11757x128xf32, #tpu.memory_space<hbm>>) target(%arg12 : memref<80x128xf32, #tpu.memory_space<vmem>>) offsets(%dma_start3A_5 : memref<80xi32, #tpu.memory_space<vmem>>) semaphore(%arg20 : memref<!tpu.dma_semaphore, #tpu.memory_space<semaphore_mem>>)
    %dma_start3A_9 = arith.constant 0 : i32
    %dma_start3A_10 = arith.constant 0 : i32
    %dma_start3A_11 = tpu.memref_slice %arg11[%dma_start3A_9, %dma_start3A_10] : memref<4x80xi32, #tpu.memory_space<vmem>> -> memref<1x80xi32, #tpu.memory_space<vmem>>
    %dma_start3A_12 = tpu.memref_squeeze %dma_start3A_11 : memref<1x80xi32, #tpu.memory_space<vmem>> -> memref<80xi32, #tpu.memory_space<vmem>>
    %dma_start3A_13 = arith.constant 0 : i32
    %dma_start3A_14 = arith.constant 0 : i32
    %dma_start3A_15 = tpu.memref_slice %arg3[%dma_start3A_13, %dma_start3A_14] : memref<11757x128xf32, #tpu.memory_space<hbm>> -> memref<11757x128xf32, #tpu.memory_space<hbm>>
    tpu.enqueue_indirect_dma source(%dma_start3A_15 : memref<11757x128xf32, #tpu.memory_space<hbm>>) target(%arg13 : memref<80x128xf32, #tpu.memory_space<vmem>>) offsets(%dma_start3A_12 : memref<80xi32, #tpu.memory_space<vmem>>) semaphore(%arg20 : memref<!tpu.dma_semaphore, #tpu.memory_space<semaphore_mem>>)
    %dma_start3A_16 = arith.constant 0 : i32
    %dma_start3A_17 = arith.constant 0 : i32
    %dma_start3A_18 = tpu.memref_slice %arg11[%dma_start3A_16, %dma_start3A_17] : memref<4x80xi32, #tpu.memory_space<vmem>> -> memref<1x80xi32, #tpu.memory_space<vmem>>
    %dma_start3A_19 = tpu.memref_squeeze %dma_start3A_18 : memref<1x80xi32, #tpu.memory_space<vmem>> -> memref<80xi32, #tpu.memory_space<vmem>>
    %dma_start3A_20 = arith.constant 0 : i32
    %dma_start3A_21 = arith.constant 0 : i32
    %dma_start3A_22 = tpu.memref_slice %arg4[%dma_start3A_20, %dma_start3A_21] : memref<11757x128xf32, #tpu.memory_space<hbm>> -> memref<11757x128xf32, #tpu.memory_space<hbm>>
    tpu.enqueue_indirect_dma source(%dma_start3A_22 : memref<11757x128xf32, #tpu.memory_space<hbm>>) target(%arg14 : memref<80x128xf32, #tpu.memory_space<vmem>>) offsets(%dma_start3A_19 : memref<80xi32, #tpu.memory_space<vmem>>) semaphore(%arg20 : memref<!tpu.dma_semaphore, #tpu.memory_space<semaphore_mem>>)
    %dma_start3A_23 = arith.constant 0 : i32
    %dma_start3A_24 = arith.constant 0 : i32
    %dma_start3A_25 = tpu.memref_slice %arg11[%dma_start3A_23, %dma_start3A_24] : memref<4x80xi32, #tpu.memory_space<vmem>> -> memref<1x80xi32, #tpu.memory_space<vmem>>
    %dma_start3A_26 = tpu.memref_squeeze %dma_start3A_25 : memref<1x80xi32, #tpu.memory_space<vmem>> -> memref<80xi32, #tpu.memory_space<vmem>>
    %dma_start3A_27 = arith.constant 0 : i32
    %dma_start3A_28 = arith.constant 0 : i32
    %dma_start3A_29 = tpu.memref_slice %arg5[%dma_start3A_27, %dma_start3A_28] : memref<11757x128xf32, #tpu.memory_space<hbm>> -> memref<11757x128xf32, #tpu.memory_space<hbm>>
    tpu.enqueue_indirect_dma source(%dma_start3A_29 : memref<11757x128xf32, #tpu.memory_space<hbm>>) target(%arg15 : memref<80x128xf32, #tpu.memory_space<vmem>>) offsets(%dma_start3A_26 : memref<80xi32, #tpu.memory_space<vmem>>) semaphore(%arg20 : memref<!tpu.dma_semaphore, #tpu.memory_space<semaphore_mem>>)
    %dma_wait3A = arith.constant 0 : i32
    %dma_wait3A_30 = arith.constant 0 : i32
    %dma_wait3A_31 = tpu.memref_slice %arg11[%dma_wait3A, %dma_wait3A_30] : memref<4x80xi32, #tpu.memory_space<vmem>> -> memref<1x80xi32, #tpu.memory_space<vmem>>
    %dma_wait3A_32 = tpu.memref_squeeze %dma_wait3A_31 : memref<1x80xi32, #tpu.memory_space<vmem>> -> memref<80xi32, #tpu.memory_space<vmem>>
    %dma_wait3A_33 = arith.constant 0 : i32
    %dma_wait3A_34 = arith.constant 0 : i32
    %dma_wait3A_35 = tpu.memref_slice %arg2[%dma_wait3A_33, %dma_wait3A_34] : memref<11757x128xf32, #tpu.memory_space<hbm>> -> memref<11757x128xf32, #tpu.memory_space<hbm>>
    tpu.wait_indirect_dma semaphore(%arg20 : memref<!tpu.dma_semaphore, #tpu.memory_space<semaphore_mem>>) src(%dma_wait3A_35 : memref<11757x128xf32, #tpu.memory_space<hbm>>) dst(%arg12 : memref<80x128xf32, #tpu.memory_space<vmem>>)
    %dma_wait3A_36 = arith.constant 0 : i32
    %dma_wait3A_37 = arith.constant 0 : i32
    %dma_wait3A_38 = tpu.memref_slice %arg11[%dma_wait3A_36, %dma_wait3A_37] : memref<4x80xi32, #tpu.memory_space<vmem>> -> memref<1x80xi32, #tpu.memory_space<vmem>>
    %dma_wait3A_39 = tpu.memref_squeeze %dma_wait3A_38 : memref<1x80xi32, #tpu.memory_space<vmem>> -> memref<80xi32, #tpu.memory_space<vmem>>
    %dma_wait3A_40 = arith.constant 0 : i32
    %dma_wait3A_41 = arith.constant 0 : i32
    %dma_wait3A_42 = tpu.memref_slice %arg3[%dma_wait3A_40, %dma_wait3A_41] : memref<11757x128xf32, #tpu.memory_space<hbm>> -> memref<11757x128xf32, #tpu.memory_space<hbm>>
    tpu.wait_indirect_dma semaphore(%arg20 : memref<!tpu.dma_semaphore, #tpu.memory_space<semaphore_mem>>) src(%dma_wait3A_42 : memref<11757x128xf32, #tpu.memory_space<hbm>>) dst(%arg13 : memref<80x128xf32, #tpu.memory_space<vmem>>)
    %dma_wait3A_43 = arith.constant 0 : i32
    %dma_wait3A_44 = arith.constant 0 : i32
    %dma_wait3A_45 = tpu.memref_slice %arg11[%dma_wait3A_43, %dma_wait3A_44] : memref<4x80xi32, #tpu.memory_space<vmem>> -> memref<1x80xi32, #tpu.memory_space<vmem>>
    %dma_wait3A_46 = tpu.memref_squeeze %dma_wait3A_45 : memref<1x80xi32, #tpu.memory_space<vmem>> -> memref<80xi32, #tpu.memory_space<vmem>>
    %dma_wait3A_47 = arith.constant 0 : i32
    %dma_wait3A_48 = arith.constant 0 : i32
    %dma_wait3A_49 = tpu.memref_slice %arg4[%dma_wait3A_47, %dma_wait3A_48] : memref<11757x128xf32, #tpu.memory_space<hbm>> -> memref<11757x128xf32, #tpu.memory_space<hbm>>
    tpu.wait_indirect_dma semaphore(%arg20 : memref<!tpu.dma_semaphore, #tpu.memory_space<semaphore_mem>>) src(%dma_wait3A_49 : memref<11757x128xf32, #tpu.memory_space<hbm>>) dst(%arg14 : memref<80x128xf32, #tpu.memory_space<vmem>>)
    %dma_wait3A_50 = arith.constant 0 : i32
    %dma_wait3A_51 = arith.constant 0 : i32
    %dma_wait3A_52 = tpu.memref_slice %arg11[%dma_wait3A_50, %dma_wait3A_51] : memref<4x80xi32, #tpu.memory_space<vmem>> -> memref<1x80xi32, #tpu.memory_space<vmem>>
    %dma_wait3A_53 = tpu.memref_squeeze %dma_wait3A_52 : memref<1x80xi32, #tpu.memory_space<vmem>> -> memref<80xi32, #tpu.memory_space<vmem>>
    %dma_wait3A_54 = arith.constant 0 : i32
    %dma_wait3A_55 = arith.constant 0 : i32
    %dma_wait3A_56 = tpu.memref_slice %arg5[%dma_wait3A_54, %dma_wait3A_55] : memref<11757x128xf32, #tpu.memory_space<hbm>> -> memref<11757x128xf32, #tpu.memory_space<hbm>>
    tpu.wait_indirect_dma semaphore(%arg20 : memref<!tpu.dma_semaphore, #tpu.memory_space<semaphore_mem>>) src(%dma_wait3A_56 : memref<11757x128xf32, #tpu.memory_space<hbm>>) dst(%arg15 : memref<80x128xf32, #tpu.memory_space<vmem>>)
    %dma_start3A_57 = arith.constant 1 : i32
    %dma_start3A_58 = arith.constant 0 : i32
    %dma_start3A_59 = tpu.memref_slice %arg11[%dma_start3A_57, %dma_start3A_58] : memref<4x80xi32, #tpu.memory_space<vmem>> -> memref<1x80xi32, #tpu.memory_space<vmem>>
    %dma_start3A_60 = tpu.memref_squeeze %dma_start3A_59 : memref<1x80xi32, #tpu.memory_space<vmem>> -> memref<80xi32, #tpu.memory_space<vmem>>
    %dma_start3A_61 = arith.constant 0 : i32
    %dma_start3A_62 = arith.constant 0 : i32
    %dma_start3A_63 = tpu.memref_slice %arg2[%dma_start3A_61, %dma_start3A_62] : memref<11757x128xf32, #tpu.memory_space<hbm>> -> memref<11757x128xf32, #tpu.memory_space<hbm>>
    tpu.enqueue_indirect_dma source(%dma_start3A_63 : memref<11757x128xf32, #tpu.memory_space<hbm>>) target(%arg16 : memref<80x128xf32, #tpu.memory_space<vmem>>) offsets(%dma_start3A_60 : memref<80xi32, #tpu.memory_space<vmem>>) semaphore(%arg20 : memref<!tpu.dma_semaphore, #tpu.memory_space<semaphore_mem>>)
    %dma_start3A_64 = arith.constant 1 : i32
    %dma_start3A_65 = arith.constant 0 : i32
    %dma_start3A_66 = tpu.memref_slice %arg11[%dma_start3A_64, %dma_start3A_65] : memref<4x80xi32, #tpu.memory_space<vmem>> -> memref<1x80xi32, #tpu.memory_space<vmem>>
    %dma_start3A_67 = tpu.memref_squeeze %dma_start3A_66 : memref<1x80xi32, #tpu.memory_space<vmem>> -> memref<80xi32, #tpu.memory_space<vmem>>
    %dma_start3A_68 = arith.constant 0 : i32
    %dma_start3A_69 = arith.constant 0 : i32
    %dma_start3A_70 = tpu.memref_slice %arg3[%dma_start3A_68, %dma_start3A_69] : memref<11757x128xf32, #tpu.memory_space<hbm>> -> memref<11757x128xf32, #tpu.memory_space<hbm>>
    tpu.enqueue_indirect_dma source(%dma_start3A_70 : memref<11757x128xf32, #tpu.memory_space<hbm>>) target(%arg17 : memref<80x128xf32, #tpu.memory_space<vmem>>) offsets(%dma_start3A_67 : memref<80xi32, #tpu.memory_space<vmem>>) semaphore(%arg20 : memref<!tpu.dma_semaphore, #tpu.memory_space<semaphore_mem>>)
    %dma_start3A_71 = arith.constant 1 : i32
    %dma_start3A_72 = arith.constant 0 : i32
    %dma_start3A_73 = tpu.memref_slice %arg11[%dma_start3A_71, %dma_start3A_72] : memref<4x80xi32, #tpu.memory_space<vmem>> -> memref<1x80xi32, #tpu.memory_space<vmem>>
    %dma_start3A_74 = tpu.memref_squeeze %dma_start3A_73 : memref<1x80xi32, #tpu.memory_space<vmem>> -> memref<80xi32, #tpu.memory_space<vmem>>
    %dma_start3A_75 = arith.constant 0 : i32
    %dma_start3A_76 = arith.constant 0 : i32
    %dma_start3A_77 = tpu.memref_slice %arg4[%dma_start3A_75, %dma_start3A_76] : memref<11757x128xf32, #tpu.memory_space<hbm>> -> memref<11757x128xf32, #tpu.memory_space<hbm>>
    tpu.enqueue_indirect_dma source(%dma_start3A_77 : memref<11757x128xf32, #tpu.memory_space<hbm>>) target(%arg18 : memref<80x128xf32, #tpu.memory_space<vmem>>) offsets(%dma_start3A_74 : memref<80xi32, #tpu.memory_space<vmem>>) semaphore(%arg20 : memref<!tpu.dma_semaphore, #tpu.memory_space<semaphore_mem>>)
    %dma_start3A_78 = arith.constant 1 : i32
    %dma_start3A_79 = arith.constant 0 : i32
    %dma_start3A_80 = tpu.memref_slice %arg11[%dma_start3A_78, %dma_start3A_79] : memref<4x80xi32, #tpu.memory_space<vmem>> -> memref<1x80xi32, #tpu.memory_space<vmem>>
    %dma_start3A_81 = tpu.memref_squeeze %dma_start3A_80 : memref<1x80xi32, #tpu.memory_space<vmem>> -> memref<80xi32, #tpu.memory_space<vmem>>
    %dma_start3A_82 = arith.constant 0 : i32
    %dma_start3A_83 = arith.constant 0 : i32
    %dma_start3A_84 = tpu.memref_slice %arg5[%dma_start3A_82, %dma_start3A_83] : memref<11757x128xf32, #tpu.memory_space<hbm>> -> memref<11757x128xf32, #tpu.memory_space<hbm>>
    tpu.enqueue_indirect_dma source(%dma_start3A_84 : memref<11757x128xf32, #tpu.memory_space<hbm>>) target(%arg19 : memref<80x128xf32, #tpu.memory_space<vmem>>) offsets(%dma_start3A_81 : memref<80xi32, #tpu.memory_space<vmem>>) semaphore(%arg20 : memref<!tpu.dma_semaphore, #tpu.memory_space<semaphore_mem>>)
    %add3A_85 = arith.constant 0 : i32
    %add3A_86 = arith.addi %mul3A_2, %add3A_85 : i32
    %dma_start3A_87 = arith.constant 0 : i32
    %dma_start3A_88 = tpu.memref_slice %arg7[%add3A_86, %dma_start3A_87] : memref<10240x128xf32, #tpu.memory_space<hbm>> -> memref<80x128xf32, #tpu.memory_space<hbm>>
    %dma_start3A_89 = arith.constant 0 : i32
    %dma_start3A_90 = tpu.memref_slice %arg7[%add3A_86, %dma_start3A_89] : memref<10240x128xf32, #tpu.memory_space<hbm>> -> memref<80x128xf32, #tpu.memory_space<hbm>>
    tpu.enqueue_dma source(%arg12 : memref<80x128xf32, #tpu.memory_space<vmem>>) target(%dma_start3A_90 : memref<80x128xf32, #tpu.memory_space<hbm>>) target_semaphore(%arg21 : memref<!tpu.dma_semaphore, #tpu.memory_space<semaphore_mem>>)
    %dma_start3A_91 = arith.constant 0 : i32
    %dma_start3A_92 = tpu.memref_slice %arg8[%add3A_86, %dma_start3A_91] : memref<10240x128xf32, #tpu.memory_space<hbm>> -> memref<80x128xf32, #tpu.memory_space<hbm>>
    %dma_start3A_93 = arith.constant 0 : i32
    %dma_start3A_94 = tpu.memref_slice %arg8[%add3A_86, %dma_start3A_93] : memref<10240x128xf32, #tpu.memory_space<hbm>> -> memref<80x128xf32, #tpu.memory_space<hbm>>
    tpu.enqueue_dma source(%arg13 : memref<80x128xf32, #tpu.memory_space<vmem>>) target(%dma_start3A_94 : memref<80x128xf32, #tpu.memory_space<hbm>>) target_semaphore(%arg21 : memref<!tpu.dma_semaphore, #tpu.memory_space<semaphore_mem>>)
    %dma_start3A_95 = arith.constant 0 : i32
    %dma_start3A_96 = tpu.memref_slice %arg9[%add3A_86, %dma_start3A_95] : memref<10240x128xf32, #tpu.memory_space<hbm>> -> memref<80x128xf32, #tpu.memory_space<hbm>>
    %dma_start3A_97 = arith.constant 0 : i32
    %dma_start3A_98 = tpu.memref_slice %arg9[%add3A_86, %dma_start3A_97] : memref<10240x128xf32, #tpu.memory_space<hbm>> -> memref<80x128xf32, #tpu.memory_space<hbm>>
    tpu.enqueue_dma source(%arg14 : memref<80x128xf32, #tpu.memory_space<vmem>>) target(%dma_start3A_98 : memref<80x128xf32, #tpu.memory_space<hbm>>) target_semaphore(%arg21 : memref<!tpu.dma_semaphore, #tpu.memory_space<semaphore_mem>>)
    %dma_start3A_99 = arith.constant 0 : i32
    %dma_start3A_100 = tpu.memref_slice %arg10[%add3A_86, %dma_start3A_99] : memref<10240x128xf32, #tpu.memory_space<hbm>> -> memref<80x128xf32, #tpu.memory_space<hbm>>
    %dma_start3A_101 = arith.constant 0 : i32
    %dma_start3A_102 = tpu.memref_slice %arg10[%add3A_86, %dma_start3A_101] : memref<10240x128xf32, #tpu.memory_space<hbm>> -> memref<80x128xf32, #tpu.memory_space<hbm>>
    tpu.enqueue_dma source(%arg15 : memref<80x128xf32, #tpu.memory_space<vmem>>) target(%dma_start3A_102 : memref<80x128xf32, #tpu.memory_space<hbm>>) target_semaphore(%arg21 : memref<!tpu.dma_semaphore, #tpu.memory_space<semaphore_mem>>)
    %dma_wait3A_103 = arith.constant 1 : i32
    %dma_wait3A_104 = arith.constant 0 : i32
    %dma_wait3A_105 = tpu.memref_slice %arg11[%dma_wait3A_103, %dma_wait3A_104] : memref<4x80xi32, #tpu.memory_space<vmem>> -> memref<1x80xi32, #tpu.memory_space<vmem>>
    %dma_wait3A_106 = tpu.memref_squeeze %dma_wait3A_105 : memref<1x80xi32, #tpu.memory_space<vmem>> -> memref<80xi32, #tpu.memory_space<vmem>>
    %dma_wait3A_107 = arith.constant 0 : i32
    %dma_wait3A_108 = arith.constant 0 : i32
    %dma_wait3A_109 = tpu.memref_slice %arg2[%dma_wait3A_107, %dma_wait3A_108] : memref<11757x128xf32, #tpu.memory_space<hbm>> -> memref<11757x128xf32, #tpu.memory_space<hbm>>
    tpu.wait_indirect_dma semaphore(%arg20 : memref<!tpu.dma_semaphore, #tpu.memory_space<semaphore_mem>>) src(%dma_wait3A_109 : memref<11757x128xf32, #tpu.memory_space<hbm>>) dst(%arg16 : memref<80x128xf32, #tpu.memory_space<vmem>>)
    %dma_wait3A_110 = arith.constant 1 : i32
    %dma_wait3A_111 = arith.constant 0 : i32
    %dma_wait3A_112 = tpu.memref_slice %arg11[%dma_wait3A_110, %dma_wait3A_111] : memref<4x80xi32, #tpu.memory_space<vmem>> -> memref<1x80xi32, #tpu.memory_space<vmem>>
    %dma_wait3A_113 = tpu.memref_squeeze %dma_wait3A_112 : memref<1x80xi32, #tpu.memory_space<vmem>> -> memref<80xi32, #tpu.memory_space<vmem>>
    %dma_wait3A_114 = arith.constant 0 : i32
    %dma_wait3A_115 = arith.constant 0 : i32
    %dma_wait3A_116 = tpu.memref_slice %arg3[%dma_wait3A_114, %dma_wait3A_115] : memref<11757x128xf32, #tpu.memory_space<hbm>> -> memref<11757x128xf32, #tpu.memory_space<hbm>>
    tpu.wait_indirect_dma semaphore(%arg20 : memref<!tpu.dma_semaphore, #tpu.memory_space<semaphore_mem>>) src(%dma_wait3A_116 : memref<11757x128xf32, #tpu.memory_space<hbm>>) dst(%arg17 : memref<80x128xf32, #tpu.memory_space<vmem>>)
    %dma_wait3A_117 = arith.constant 1 : i32
    %dma_wait3A_118 = arith.constant 0 : i32
    %dma_wait3A_119 = tpu.memref_slice %arg11[%dma_wait3A_117, %dma_wait3A_118] : memref<4x80xi32, #tpu.memory_space<vmem>> -> memref<1x80xi32, #tpu.memory_space<vmem>>
    %dma_wait3A_120 = tpu.memref_squeeze %dma_wait3A_119 : memref<1x80xi32, #tpu.memory_space<vmem>> -> memref<80xi32, #tpu.memory_space<vmem>>
    %dma_wait3A_121 = arith.constant 0 : i32
    %dma_wait3A_122 = arith.constant 0 : i32
    %dma_wait3A_123 = tpu.memref_slice %arg4[%dma_wait3A_121, %dma_wait3A_122] : memref<11757x128xf32, #tpu.memory_space<hbm>> -> memref<11757x128xf32, #tpu.memory_space<hbm>>
    tpu.wait_indirect_dma semaphore(%arg20 : memref<!tpu.dma_semaphore, #tpu.memory_space<semaphore_mem>>) src(%dma_wait3A_123 : memref<11757x128xf32, #tpu.memory_space<hbm>>) dst(%arg18 : memref<80x128xf32, #tpu.memory_space<vmem>>)
    %dma_wait3A_124 = arith.constant 1 : i32
    %dma_wait3A_125 = arith.constant 0 : i32
    %dma_wait3A_126 = tpu.memref_slice %arg11[%dma_wait3A_124, %dma_wait3A_125] : memref<4x80xi32, #tpu.memory_space<vmem>> -> memref<1x80xi32, #tpu.memory_space<vmem>>
    %dma_wait3A_127 = tpu.memref_squeeze %dma_wait3A_126 : memref<1x80xi32, #tpu.memory_space<vmem>> -> memref<80xi32, #tpu.memory_space<vmem>>
    %dma_wait3A_128 = arith.constant 0 : i32
    %dma_wait3A_129 = arith.constant 0 : i32
    %dma_wait3A_130 = tpu.memref_slice %arg5[%dma_wait3A_128, %dma_wait3A_129] : memref<11757x128xf32, #tpu.memory_space<hbm>> -> memref<11757x128xf32, #tpu.memory_space<hbm>>
    tpu.wait_indirect_dma semaphore(%arg20 : memref<!tpu.dma_semaphore, #tpu.memory_space<semaphore_mem>>) src(%dma_wait3A_130 : memref<11757x128xf32, #tpu.memory_space<hbm>>) dst(%arg19 : memref<80x128xf32, #tpu.memory_space<vmem>>)
    %dma_wait3A_131 = arith.constant 0 : i32
    %dma_wait3A_132 = tpu.memref_slice %arg7[%add3A_86, %dma_wait3A_131] : memref<10240x128xf32, #tpu.memory_space<hbm>> -> memref<80x128xf32, #tpu.memory_space<hbm>>
    %dma_wait3A_133 = arith.constant 0 : i32
    %dma_wait3A_134 = tpu.memref_slice %arg7[%add3A_86, %dma_wait3A_133] : memref<10240x128xf32, #tpu.memory_space<hbm>> -> memref<80x128xf32, #tpu.memory_space<hbm>>
    tpu.wait_dma2 semaphore(%arg21 : memref<!tpu.dma_semaphore, #tpu.memory_space<semaphore_mem>>) src(%arg12 : memref<80x128xf32, #tpu.memory_space<vmem>>) dst(%dma_wait3A_134 : memref<80x128xf32, #tpu.memory_space<hbm>>)
    %dma_wait3A_135 = arith.constant 0 : i32
    %dma_wait3A_136 = tpu.memref_slice %arg8[%add3A_86, %dma_wait3A_135] : memref<10240x128xf32, #tpu.memory_space<hbm>> -> memref<80x128xf32, #tpu.memory_space<hbm>>
    %dma_wait3A_137 = arith.constant 0 : i32
    %dma_wait3A_138 = tpu.memref_slice %arg8[%add3A_86, %dma_wait3A_137] : memref<10240x128xf32, #tpu.memory_space<hbm>> -> memref<80x128xf32, #tpu.memory_space<hbm>>
    tpu.wait_dma2 semaphore(%arg21 : memref<!tpu.dma_semaphore, #tpu.memory_space<semaphore_mem>>) src(%arg13 : memref<80x128xf32, #tpu.memory_space<vmem>>) dst(%dma_wait3A_138 : memref<80x128xf32, #tpu.memory_space<hbm>>)
    %dma_wait3A_139 = arith.constant 0 : i32
    %dma_wait3A_140 = tpu.memref_slice %arg9[%add3A_86, %dma_wait3A_139] : memref<10240x128xf32, #tpu.memory_space<hbm>> -> memref<80x128xf32, #tpu.memory_space<hbm>>
    %dma_wait3A_141 = arith.constant 0 : i32
    %dma_wait3A_142 = tpu.memref_slice %arg9[%add3A_86, %dma_wait3A_141] : memref<10240x128xf32, #tpu.memory_space<hbm>> -> memref<80x128xf32, #tpu.memory_space<hbm>>
    tpu.wait_dma2 semaphore(%arg21 : memref<!tpu.dma_semaphore, #tpu.memory_space<semaphore_mem>>) src(%arg14 : memref<80x128xf32, #tpu.memory_space<vmem>>) dst(%dma_wait3A_142 : memref<80x128xf32, #tpu.memory_space<hbm>>)
    %dma_wait3A_143 = arith.constant 0 : i32
    %dma_wait3A_144 = tpu.memref_slice %arg10[%add3A_86, %dma_wait3A_143] : memref<10240x128xf32, #tpu.memory_space<hbm>> -> memref<80x128xf32, #tpu.memory_space<hbm>>
    %dma_wait3A_145 = arith.constant 0 : i32
    %dma_wait3A_146 = tpu.memref_slice %arg10[%add3A_86, %dma_wait3A_145] : memref<10240x128xf32, #tpu.memory_space<hbm>> -> memref<80x128xf32, #tpu.memory_space<hbm>>
    tpu.wait_dma2 semaphore(%arg21 : memref<!tpu.dma_semaphore, #tpu.memory_space<semaphore_mem>>) src(%arg15 : memref<80x128xf32, #tpu.memory_space<vmem>>) dst(%dma_wait3A_146 : memref<80x128xf32, #tpu.memory_space<hbm>>)
    %dma_start3A_147 = arith.constant 2 : i32
    %dma_start3A_148 = arith.constant 0 : i32
    %dma_start3A_149 = tpu.memref_slice %arg11[%dma_start3A_147, %dma_start3A_148] : memref<4x80xi32, #tpu.memory_space<vmem>> -> memref<1x80xi32, #tpu.memory_space<vmem>>
    %dma_start3A_150 = tpu.memref_squeeze %dma_start3A_149 : memref<1x80xi32, #tpu.memory_space<vmem>> -> memref<80xi32, #tpu.memory_space<vmem>>
    %dma_start3A_151 = arith.constant 0 : i32
    %dma_start3A_152 = arith.constant 0 : i32
    %dma_start3A_153 = tpu.memref_slice %arg2[%dma_start3A_151, %dma_start3A_152] : memref<11757x128xf32, #tpu.memory_space<hbm>> -> memref<11757x128xf32, #tpu.memory_space<hbm>>
    tpu.enqueue_indirect_dma source(%dma_start3A_153 : memref<11757x128xf32, #tpu.memory_space<hbm>>) target(%arg12 : memref<80x128xf32, #tpu.memory_space<vmem>>) offsets(%dma_start3A_150 : memref<80xi32, #tpu.memory_space<vmem>>) semaphore(%arg20 : memref<!tpu.dma_semaphore, #tpu.memory_space<semaphore_mem>>)
    %dma_start3A_154 = arith.constant 2 : i32
    %dma_start3A_155 = arith.constant 0 : i32
    %dma_start3A_156 = tpu.memref_slice %arg11[%dma_start3A_154, %dma_start3A_155] : memref<4x80xi32, #tpu.memory_space<vmem>> -> memref<1x80xi32, #tpu.memory_space<vmem>>
    %dma_start3A_157 = tpu.memref_squeeze %dma_start3A_156 : memref<1x80xi32, #tpu.memory_space<vmem>> -> memref<80xi32, #tpu.memory_space<vmem>>
    %dma_start3A_158 = arith.constant 0 : i32
    %dma_start3A_159 = arith.constant 0 : i32
    %dma_start3A_160 = tpu.memref_slice %arg3[%dma_start3A_158, %dma_start3A_159] : memref<11757x128xf32, #tpu.memory_space<hbm>> -> memref<11757x128xf32, #tpu.memory_space<hbm>>
    tpu.enqueue_indirect_dma source(%dma_start3A_160 : memref<11757x128xf32, #tpu.memory_space<hbm>>) target(%arg13 : memref<80x128xf32, #tpu.memory_space<vmem>>) offsets(%dma_start3A_157 : memref<80xi32, #tpu.memory_space<vmem>>) semaphore(%arg20 : memref<!tpu.dma_semaphore, #tpu.memory_space<semaphore_mem>>)
    %dma_start3A_161 = arith.constant 2 : i32
    %dma_start3A_162 = arith.constant 0 : i32
    %dma_start3A_163 = tpu.memref_slice %arg11[%dma_start3A_161, %dma_start3A_162] : memref<4x80xi32, #tpu.memory_space<vmem>> -> memref<1x80xi32, #tpu.memory_space<vmem>>
    %dma_start3A_164 = tpu.memref_squeeze %dma_start3A_163 : memref<1x80xi32, #tpu.memory_space<vmem>> -> memref<80xi32, #tpu.memory_space<vmem>>
    %dma_start3A_165 = arith.constant 0 : i32
    %dma_start3A_166 = arith.constant 0 : i32
    %dma_start3A_167 = tpu.memref_slice %arg4[%dma_start3A_165, %dma_start3A_166] : memref<11757x128xf32, #tpu.memory_space<hbm>> -> memref<11757x128xf32, #tpu.memory_space<hbm>>
    tpu.enqueue_indirect_dma source(%dma_start3A_167 : memref<11757x128xf32, #tpu.memory_space<hbm>>) target(%arg14 : memref<80x128xf32, #tpu.memory_space<vmem>>) offsets(%dma_start3A_164 : memref<80xi32, #tpu.memory_space<vmem>>) semaphore(%arg20 : memref<!tpu.dma_semaphore, #tpu.memory_space<semaphore_mem>>)
    %dma_start3A_168 = arith.constant 2 : i32
    %dma_start3A_169 = arith.constant 0 : i32
    %dma_start3A_170 = tpu.memref_slice %arg11[%dma_start3A_168, %dma_start3A_169] : memref<4x80xi32, #tpu.memory_space<vmem>> -> memref<1x80xi32, #tpu.memory_space<vmem>>
    %dma_start3A_171 = tpu.memref_squeeze %dma_start3A_170 : memref<1x80xi32, #tpu.memory_space<vmem>> -> memref<80xi32, #tpu.memory_space<vmem>>
    %dma_start3A_172 = arith.constant 0 : i32
    %dma_start3A_173 = arith.constant 0 : i32
    %dma_start3A_174 = tpu.memref_slice %arg5[%dma_start3A_172, %dma_start3A_173] : memref<11757x128xf32, #tpu.memory_space<hbm>> -> memref<11757x128xf32, #tpu.memory_space<hbm>>
    tpu.enqueue_indirect_dma source(%dma_start3A_174 : memref<11757x128xf32, #tpu.memory_space<hbm>>) target(%arg15 : memref<80x128xf32, #tpu.memory_space<vmem>>) offsets(%dma_start3A_171 : memref<80xi32, #tpu.memory_space<vmem>>) semaphore(%arg20 : memref<!tpu.dma_semaphore, #tpu.memory_space<semaphore_mem>>)
    %add3A_175 = arith.constant 80 : i32
    %add3A_176 = arith.addi %mul3A_2, %add3A_175 : i32
    %dma_start3A_177 = arith.constant 0 : i32
    %dma_start3A_178 = tpu.memref_slice %arg7[%add3A_176, %dma_start3A_177] : memref<10240x128xf32, #tpu.memory_space<hbm>> -> memref<80x128xf32, #tpu.memory_space<hbm>>
    %dma_start3A_179 = arith.constant 0 : i32
    %dma_start3A_180 = tpu.memref_slice %arg7[%add3A_176, %dma_start3A_179] : memref<10240x128xf32, #tpu.memory_space<hbm>> -> memref<80x128xf32, #tpu.memory_space<hbm>>
    tpu.enqueue_dma source(%arg16 : memref<80x128xf32, #tpu.memory_space<vmem>>) target(%dma_start3A_180 : memref<80x128xf32, #tpu.memory_space<hbm>>) target_semaphore(%arg21 : memref<!tpu.dma_semaphore, #tpu.memory_space<semaphore_mem>>)
    %dma_start3A_181 = arith.constant 0 : i32
    %dma_start3A_182 = tpu.memref_slice %arg8[%add3A_176, %dma_start3A_181] : memref<10240x128xf32, #tpu.memory_space<hbm>> -> memref<80x128xf32, #tpu.memory_space<hbm>>
    %dma_start3A_183 = arith.constant 0 : i32
    %dma_start3A_184 = tpu.memref_slice %arg8[%add3A_176, %dma_start3A_183] : memref<10240x128xf32, #tpu.memory_space<hbm>> -> memref<80x128xf32, #tpu.memory_space<hbm>>
    tpu.enqueue_dma source(%arg17 : memref<80x128xf32, #tpu.memory_space<vmem>>) target(%dma_start3A_184 : memref<80x128xf32, #tpu.memory_space<hbm>>) target_semaphore(%arg21 : memref<!tpu.dma_semaphore, #tpu.memory_space<semaphore_mem>>)
    %dma_start3A_185 = arith.constant 0 : i32
    %dma_start3A_186 = tpu.memref_slice %arg9[%add3A_176, %dma_start3A_185] : memref<10240x128xf32, #tpu.memory_space<hbm>> -> memref<80x128xf32, #tpu.memory_space<hbm>>
    %dma_start3A_187 = arith.constant 0 : i32
    %dma_start3A_188 = tpu.memref_slice %arg9[%add3A_176, %dma_start3A_187] : memref<10240x128xf32, #tpu.memory_space<hbm>> -> memref<80x128xf32, #tpu.memory_space<hbm>>
    tpu.enqueue_dma source(%arg18 : memref<80x128xf32, #tpu.memory_space<vmem>>) target(%dma_start3A_188 : memref<80x128xf32, #tpu.memory_space<hbm>>) target_semaphore(%arg21 : memref<!tpu.dma_semaphore, #tpu.memory_space<semaphore_mem>>)
    %dma_start3A_189 = arith.constant 0 : i32
    %dma_start3A_190 = tpu.memref_slice %arg10[%add3A_176, %dma_start3A_189] : memref<10240x128xf32, #tpu.memory_space<hbm>> -> memref<80x128xf32, #tpu.memory_space<hbm>>
    %dma_start3A_191 = arith.constant 0 : i32
    %dma_start3A_192 = tpu.memref_slice %arg10[%add3A_176, %dma_start3A_191] : memref<10240x128xf32, #tpu.memory_space<hbm>> -> memref<80x128xf32, #tpu.memory_space<hbm>>
    tpu.enqueue_dma source(%arg19 : memref<80x128xf32, #tpu.memory_space<vmem>>) target(%dma_start3A_192 : memref<80x128xf32, #tpu.memory_space<hbm>>) target_semaphore(%arg21 : memref<!tpu.dma_semaphore, #tpu.memory_space<semaphore_mem>>)
    %dma_wait3A_193 = arith.constant 2 : i32
    %dma_wait3A_194 = arith.constant 0 : i32
    %dma_wait3A_195 = tpu.memref_slice %arg11[%dma_wait3A_193, %dma_wait3A_194] : memref<4x80xi32, #tpu.memory_space<vmem>> -> memref<1x80xi32, #tpu.memory_space<vmem>>
    %dma_wait3A_196 = tpu.memref_squeeze %dma_wait3A_195 : memref<1x80xi32, #tpu.memory_space<vmem>> -> memref<80xi32, #tpu.memory_space<vmem>>
    %dma_wait3A_197 = arith.constant 0 : i32
    %dma_wait3A_198 = arith.constant 0 : i32
    %dma_wait3A_199 = tpu.memref_slice %arg2[%dma_wait3A_197, %dma_wait3A_198] : memref<11757x128xf32, #tpu.memory_space<hbm>> -> memref<11757x128xf32, #tpu.memory_space<hbm>>
    tpu.wait_indirect_dma semaphore(%arg20 : memref<!tpu.dma_semaphore, #tpu.memory_space<semaphore_mem>>) src(%dma_wait3A_199 : memref<11757x128xf32, #tpu.memory_space<hbm>>) dst(%arg12 : memref<80x128xf32, #tpu.memory_space<vmem>>)
    %dma_wait3A_200 = arith.constant 2 : i32
    %dma_wait3A_201 = arith.constant 0 : i32
    %dma_wait3A_202 = tpu.memref_slice %arg11[%dma_wait3A_200, %dma_wait3A_201] : memref<4x80xi32, #tpu.memory_space<vmem>> -> memref<1x80xi32, #tpu.memory_space<vmem>>
    %dma_wait3A_203 = tpu.memref_squeeze %dma_wait3A_202 : memref<1x80xi32, #tpu.memory_space<vmem>> -> memref<80xi32, #tpu.memory_space<vmem>>
    %dma_wait3A_204 = arith.constant 0 : i32
    %dma_wait3A_205 = arith.constant 0 : i32
    %dma_wait3A_206 = tpu.memref_slice %arg3[%dma_wait3A_204, %dma_wait3A_205] : memref<11757x128xf32, #tpu.memory_space<hbm>> -> memref<11757x128xf32, #tpu.memory_space<hbm>>
    tpu.wait_indirect_dma semaphore(%arg20 : memref<!tpu.dma_semaphore, #tpu.memory_space<semaphore_mem>>) src(%dma_wait3A_206 : memref<11757x128xf32, #tpu.memory_space<hbm>>) dst(%arg13 : memref<80x128xf32, #tpu.memory_space<vmem>>)
    %dma_wait3A_207 = arith.constant 2 : i32
    %dma_wait3A_208 = arith.constant 0 : i32
    %dma_wait3A_209 = tpu.memref_slice %arg11[%dma_wait3A_207, %dma_wait3A_208] : memref<4x80xi32, #tpu.memory_space<vmem>> -> memref<1x80xi32, #tpu.memory_space<vmem>>
    %dma_wait3A_210 = tpu.memref_squeeze %dma_wait3A_209 : memref<1x80xi32, #tpu.memory_space<vmem>> -> memref<80xi32, #tpu.memory_space<vmem>>
    %dma_wait3A_211 = arith.constant 0 : i32
    %dma_wait3A_212 = arith.constant 0 : i32
    %dma_wait3A_213 = tpu.memref_slice %arg4[%dma_wait3A_211, %dma_wait3A_212] : memref<11757x128xf32, #tpu.memory_space<hbm>> -> memref<11757x128xf32, #tpu.memory_space<hbm>>
    tpu.wait_indirect_dma semaphore(%arg20 : memref<!tpu.dma_semaphore, #tpu.memory_space<semaphore_mem>>) src(%dma_wait3A_213 : memref<11757x128xf32, #tpu.memory_space<hbm>>) dst(%arg14 : memref<80x128xf32, #tpu.memory_space<vmem>>)
    %dma_wait3A_214 = arith.constant 2 : i32
    %dma_wait3A_215 = arith.constant 0 : i32
    %dma_wait3A_216 = tpu.memref_slice %arg11[%dma_wait3A_214, %dma_wait3A_215] : memref<4x80xi32, #tpu.memory_space<vmem>> -> memref<1x80xi32, #tpu.memory_space<vmem>>
    %dma_wait3A_217 = tpu.memref_squeeze %dma_wait3A_216 : memref<1x80xi32, #tpu.memory_space<vmem>> -> memref<80xi32, #tpu.memory_space<vmem>>
    %dma_wait3A_218 = arith.constant 0 : i32
    %dma_wait3A_219 = arith.constant 0 : i32
    %dma_wait3A_220 = tpu.memref_slice %arg5[%dma_wait3A_218, %dma_wait3A_219] : memref<11757x128xf32, #tpu.memory_space<hbm>> -> memref<11757x128xf32, #tpu.memory_space<hbm>>
    tpu.wait_indirect_dma semaphore(%arg20 : memref<!tpu.dma_semaphore, #tpu.memory_space<semaphore_mem>>) src(%dma_wait3A_220 : memref<11757x128xf32, #tpu.memory_space<hbm>>) dst(%arg15 : memref<80x128xf32, #tpu.memory_space<vmem>>)
    %dma_wait3A_221 = arith.constant 0 : i32
    %dma_wait3A_222 = tpu.memref_slice %arg7[%add3A_176, %dma_wait3A_221] : memref<10240x128xf32, #tpu.memory_space<hbm>> -> memref<80x128xf32, #tpu.memory_space<hbm>>
    %dma_wait3A_223 = arith.constant 0 : i32
    %dma_wait3A_224 = tpu.memref_slice %arg7[%add3A_176, %dma_wait3A_223] : memref<10240x128xf32, #tpu.memory_space<hbm>> -> memref<80x128xf32, #tpu.memory_space<hbm>>
    tpu.wait_dma2 semaphore(%arg21 : memref<!tpu.dma_semaphore, #tpu.memory_space<semaphore_mem>>) src(%arg16 : memref<80x128xf32, #tpu.memory_space<vmem>>) dst(%dma_wait3A_224 : memref<80x128xf32, #tpu.memory_space<hbm>>)
    %dma_wait3A_225 = arith.constant 0 : i32
    %dma_wait3A_226 = tpu.memref_slice %arg8[%add3A_176, %dma_wait3A_225] : memref<10240x128xf32, #tpu.memory_space<hbm>> -> memref<80x128xf32, #tpu.memory_space<hbm>>
    %dma_wait3A_227 = arith.constant 0 : i32
    %dma_wait3A_228 = tpu.memref_slice %arg8[%add3A_176, %dma_wait3A_227] : memref<10240x128xf32, #tpu.memory_space<hbm>> -> memref<80x128xf32, #tpu.memory_space<hbm>>
    tpu.wait_dma2 semaphore(%arg21 : memref<!tpu.dma_semaphore, #tpu.memory_space<semaphore_mem>>) src(%arg17 : memref<80x128xf32, #tpu.memory_space<vmem>>) dst(%dma_wait3A_228 : memref<80x128xf32, #tpu.memory_space<hbm>>)
    %dma_wait3A_229 = arith.constant 0 : i32
    %dma_wait3A_230 = tpu.memref_slice %arg9[%add3A_176, %dma_wait3A_229] : memref<10240x128xf32, #tpu.memory_space<hbm>> -> memref<80x128xf32, #tpu.memory_space<hbm>>
    %dma_wait3A_231 = arith.constant 0 : i32
    %dma_wait3A_232 = tpu.memref_slice %arg9[%add3A_176, %dma_wait3A_231] : memref<10240x128xf32, #tpu.memory_space<hbm>> -> memref<80x128xf32, #tpu.memory_space<hbm>>
    tpu.wait_dma2 semaphore(%arg21 : memref<!tpu.dma_semaphore, #tpu.memory_space<semaphore_mem>>) src(%arg18 : memref<80x128xf32, #tpu.memory_space<vmem>>) dst(%dma_wait3A_232 : memref<80x128xf32, #tpu.memory_space<hbm>>)
    %dma_wait3A_233 = arith.constant 0 : i32
    %dma_wait3A_234 = tpu.memref_slice %arg10[%add3A_176, %dma_wait3A_233] : memref<10240x128xf32, #tpu.memory_space<hbm>> -> memref<80x128xf32, #tpu.memory_space<hbm>>
    %dma_wait3A_235 = arith.constant 0 : i32
    %dma_wait3A_236 = tpu.memref_slice %arg10[%add3A_176, %dma_wait3A_235] : memref<10240x128xf32, #tpu.memory_space<hbm>> -> memref<80x128xf32, #tpu.memory_space<hbm>>
    tpu.wait_dma2 semaphore(%arg21 : memref<!tpu.dma_semaphore, #tpu.memory_space<semaphore_mem>>) src(%arg19 : memref<80x128xf32, #tpu.memory_space<vmem>>) dst(%dma_wait3A_236 : memref<80x128xf32, #tpu.memory_space<hbm>>)
    %dma_start3A_237 = arith.constant 3 : i32
    %dma_start3A_238 = arith.constant 0 : i32
    %dma_start3A_239 = tpu.memref_slice %arg11[%dma_start3A_237, %dma_start3A_238] : memref<4x80xi32, #tpu.memory_space<vmem>> -> memref<1x80xi32, #tpu.memory_space<vmem>>
    %dma_start3A_240 = tpu.memref_squeeze %dma_start3A_239 : memref<1x80xi32, #tpu.memory_space<vmem>> -> memref<80xi32, #tpu.memory_space<vmem>>
    %dma_start3A_241 = arith.constant 0 : i32
    %dma_start3A_242 = arith.constant 0 : i32
    %dma_start3A_243 = tpu.memref_slice %arg2[%dma_start3A_241, %dma_start3A_242] : memref<11757x128xf32, #tpu.memory_space<hbm>> -> memref<11757x128xf32, #tpu.memory_space<hbm>>
    tpu.enqueue_indirect_dma source(%dma_start3A_243 : memref<11757x128xf32, #tpu.memory_space<hbm>>) target(%arg16 : memref<80x128xf32, #tpu.memory_space<vmem>>) offsets(%dma_start3A_240 : memref<80xi32, #tpu.memory_space<vmem>>) semaphore(%arg20 : memref<!tpu.dma_semaphore, #tpu.memory_space<semaphore_mem>>)
    %dma_start3A_244 = arith.constant 3 : i32
    %dma_start3A_245 = arith.constant 0 : i32
    %dma_start3A_246 = tpu.memref_slice %arg11[%dma_start3A_244, %dma_start3A_245] : memref<4x80xi32, #tpu.memory_space<vmem>> -> memref<1x80xi32, #tpu.memory_space<vmem>>
    %dma_start3A_247 = tpu.memref_squeeze %dma_start3A_246 : memref<1x80xi32, #tpu.memory_space<vmem>> -> memref<80xi32, #tpu.memory_space<vmem>>
    %dma_start3A_248 = arith.constant 0 : i32
    %dma_start3A_249 = arith.constant 0 : i32
    %dma_start3A_250 = tpu.memref_slice %arg3[%dma_start3A_248, %dma_start3A_249] : memref<11757x128xf32, #tpu.memory_space<hbm>> -> memref<11757x128xf32, #tpu.memory_space<hbm>>
    tpu.enqueue_indirect_dma source(%dma_start3A_250 : memref<11757x128xf32, #tpu.memory_space<hbm>>) target(%arg17 : memref<80x128xf32, #tpu.memory_space<vmem>>) offsets(%dma_start3A_247 : memref<80xi32, #tpu.memory_space<vmem>>) semaphore(%arg20 : memref<!tpu.dma_semaphore, #tpu.memory_space<semaphore_mem>>)
    %dma_start3A_251 = arith.constant 3 : i32
    %dma_start3A_252 = arith.constant 0 : i32
    %dma_start3A_253 = tpu.memref_slice %arg11[%dma_start3A_251, %dma_start3A_252] : memref<4x80xi32, #tpu.memory_space<vmem>> -> memref<1x80xi32, #tpu.memory_space<vmem>>
    %dma_start3A_254 = tpu.memref_squeeze %dma_start3A_253 : memref<1x80xi32, #tpu.memory_space<vmem>> -> memref<80xi32, #tpu.memory_space<vmem>>
    %dma_start3A_255 = arith.constant 0 : i32
    %dma_start3A_256 = arith.constant 0 : i32
    %dma_start3A_257 = tpu.memref_slice %arg4[%dma_start3A_255, %dma_start3A_256] : memref<11757x128xf32, #tpu.memory_space<hbm>> -> memref<11757x128xf32, #tpu.memory_space<hbm>>
    tpu.enqueue_indirect_dma source(%dma_start3A_257 : memref<11757x128xf32, #tpu.memory_space<hbm>>) target(%arg18 : memref<80x128xf32, #tpu.memory_space<vmem>>) offsets(%dma_start3A_254 : memref<80xi32, #tpu.memory_space<vmem>>) semaphore(%arg20 : memref<!tpu.dma_semaphore, #tpu.memory_space<semaphore_mem>>)
    %dma_start3A_258 = arith.constant 3 : i32
    %dma_start3A_259 = arith.constant 0 : i32
    %dma_start3A_260 = tpu.memref_slice %arg11[%dma_start3A_258, %dma_start3A_259] : memref<4x80xi32, #tpu.memory_space<vmem>> -> memref<1x80xi32, #tpu.memory_space<vmem>>
    %dma_start3A_261 = tpu.memref_squeeze %dma_start3A_260 : memref<1x80xi32, #tpu.memory_space<vmem>> -> memref<80xi32, #tpu.memory_space<vmem>>
    %dma_start3A_262 = arith.constant 0 : i32
    %dma_start3A_263 = arith.constant 0 : i32
    %dma_start3A_264 = tpu.memref_slice %arg5[%dma_start3A_262, %dma_start3A_263] : memref<11757x128xf32, #tpu.memory_space<hbm>> -> memref<11757x128xf32, #tpu.memory_space<hbm>>
    tpu.enqueue_indirect_dma source(%dma_start3A_264 : memref<11757x128xf32, #tpu.memory_space<hbm>>) target(%arg19 : memref<80x128xf32, #tpu.memory_space<vmem>>) offsets(%dma_start3A_261 : memref<80xi32, #tpu.memory_space<vmem>>) semaphore(%arg20 : memref<!tpu.dma_semaphore, #tpu.memory_space<semaphore_mem>>)
    %add3A_265 = arith.constant 160 : i32
    %add3A_266 = arith.addi %mul3A_2, %add3A_265 : i32
    %dma_start3A_267 = arith.constant 0 : i32
    %dma_start3A_268 = tpu.memref_slice %arg7[%add3A_266, %dma_start3A_267] : memref<10240x128xf32, #tpu.memory_space<hbm>> -> memref<80x128xf32, #tpu.memory_space<hbm>>
    %dma_start3A_269 = arith.constant 0 : i32
    %dma_start3A_270 = tpu.memref_slice %arg7[%add3A_266, %dma_start3A_269] : memref<10240x128xf32, #tpu.memory_space<hbm>> -> memref<80x128xf32, #tpu.memory_space<hbm>>
    tpu.enqueue_dma source(%arg12 : memref<80x128xf32, #tpu.memory_space<vmem>>) target(%dma_start3A_270 : memref<80x128xf32, #tpu.memory_space<hbm>>) target_semaphore(%arg21 : memref<!tpu.dma_semaphore, #tpu.memory_space<semaphore_mem>>)
    %dma_start3A_271 = arith.constant 0 : i32
    %dma_start3A_272 = tpu.memref_slice %arg8[%add3A_266, %dma_start3A_271] : memref<10240x128xf32, #tpu.memory_space<hbm>> -> memref<80x128xf32, #tpu.memory_space<hbm>>
    %dma_start3A_273 = arith.constant 0 : i32
    %dma_start3A_274 = tpu.memref_slice %arg8[%add3A_266, %dma_start3A_273] : memref<10240x128xf32, #tpu.memory_space<hbm>> -> memref<80x128xf32, #tpu.memory_space<hbm>>
    tpu.enqueue_dma source(%arg13 : memref<80x128xf32, #tpu.memory_space<vmem>>) target(%dma_start3A_274 : memref<80x128xf32, #tpu.memory_space<hbm>>) target_semaphore(%arg21 : memref<!tpu.dma_semaphore, #tpu.memory_space<semaphore_mem>>)
    %dma_start3A_275 = arith.constant 0 : i32
    %dma_start3A_276 = tpu.memref_slice %arg9[%add3A_266, %dma_start3A_275] : memref<10240x128xf32, #tpu.memory_space<hbm>> -> memref<80x128xf32, #tpu.memory_space<hbm>>
    %dma_start3A_277 = arith.constant 0 : i32
    %dma_start3A_278 = tpu.memref_slice %arg9[%add3A_266, %dma_start3A_277] : memref<10240x128xf32, #tpu.memory_space<hbm>> -> memref<80x128xf32, #tpu.memory_space<hbm>>
    tpu.enqueue_dma source(%arg14 : memref<80x128xf32, #tpu.memory_space<vmem>>) target(%dma_start3A_278 : memref<80x128xf32, #tpu.memory_space<hbm>>) target_semaphore(%arg21 : memref<!tpu.dma_semaphore, #tpu.memory_space<semaphore_mem>>)
    %dma_start3A_279 = arith.constant 0 : i32
    %dma_start3A_280 = tpu.memref_slice %arg10[%add3A_266, %dma_start3A_279] : memref<10240x128xf32, #tpu.memory_space<hbm>> -> memref<80x128xf32, #tpu.memory_space<hbm>>
    %dma_start3A_281 = arith.constant 0 : i32
    %dma_start3A_282 = tpu.memref_slice %arg10[%add3A_266, %dma_start3A_281] : memref<10240x128xf32, #tpu.memory_space<hbm>> -> memref<80x128xf32, #tpu.memory_space<hbm>>
    tpu.enqueue_dma source(%arg15 : memref<80x128xf32, #tpu.memory_space<vmem>>) target(%dma_start3A_282 : memref<80x128xf32, #tpu.memory_space<hbm>>) target_semaphore(%arg21 : memref<!tpu.dma_semaphore, #tpu.memory_space<semaphore_mem>>)
    %dma_wait3A_283 = arith.constant 3 : i32
    %dma_wait3A_284 = arith.constant 0 : i32
    %dma_wait3A_285 = tpu.memref_slice %arg11[%dma_wait3A_283, %dma_wait3A_284] : memref<4x80xi32, #tpu.memory_space<vmem>> -> memref<1x80xi32, #tpu.memory_space<vmem>>
    %dma_wait3A_286 = tpu.memref_squeeze %dma_wait3A_285 : memref<1x80xi32, #tpu.memory_space<vmem>> -> memref<80xi32, #tpu.memory_space<vmem>>
    %dma_wait3A_287 = arith.constant 0 : i32
    %dma_wait3A_288 = arith.constant 0 : i32
    %dma_wait3A_289 = tpu.memref_slice %arg2[%dma_wait3A_287, %dma_wait3A_288] : memref<11757x128xf32, #tpu.memory_space<hbm>> -> memref<11757x128xf32, #tpu.memory_space<hbm>>
    tpu.wait_indirect_dma semaphore(%arg20 : memref<!tpu.dma_semaphore, #tpu.memory_space<semaphore_mem>>) src(%dma_wait3A_289 : memref<11757x128xf32, #tpu.memory_space<hbm>>) dst(%arg16 : memref<80x128xf32, #tpu.memory_space<vmem>>)
    %dma_wait3A_290 = arith.constant 3 : i32
    %dma_wait3A_291 = arith.constant 0 : i32
    %dma_wait3A_292 = tpu.memref_slice %arg11[%dma_wait3A_290, %dma_wait3A_291] : memref<4x80xi32, #tpu.memory_space<vmem>> -> memref<1x80xi32, #tpu.memory_space<vmem>>
    %dma_wait3A_293 = tpu.memref_squeeze %dma_wait3A_292 : memref<1x80xi32, #tpu.memory_space<vmem>> -> memref<80xi32, #tpu.memory_space<vmem>>
    %dma_wait3A_294 = arith.constant 0 : i32
    %dma_wait3A_295 = arith.constant 0 : i32
    %dma_wait3A_296 = tpu.memref_slice %arg3[%dma_wait3A_294, %dma_wait3A_295] : memref<11757x128xf32, #tpu.memory_space<hbm>> -> memref<11757x128xf32, #tpu.memory_space<hbm>>
    tpu.wait_indirect_dma semaphore(%arg20 : memref<!tpu.dma_semaphore, #tpu.memory_space<semaphore_mem>>) src(%dma_wait3A_296 : memref<11757x128xf32, #tpu.memory_space<hbm>>) dst(%arg17 : memref<80x128xf32, #tpu.memory_space<vmem>>)
    %dma_wait3A_297 = arith.constant 3 : i32
    %dma_wait3A_298 = arith.constant 0 : i32
    %dma_wait3A_299 = tpu.memref_slice %arg11[%dma_wait3A_297, %dma_wait3A_298] : memref<4x80xi32, #tpu.memory_space<vmem>> -> memref<1x80xi32, #tpu.memory_space<vmem>>
    %dma_wait3A_300 = tpu.memref_squeeze %dma_wait3A_299 : memref<1x80xi32, #tpu.memory_space<vmem>> -> memref<80xi32, #tpu.memory_space<vmem>>
    %dma_wait3A_301 = arith.constant 0 : i32
    %dma_wait3A_302 = arith.constant 0 : i32
    %dma_wait3A_303 = tpu.memref_slice %arg4[%dma_wait3A_301, %dma_wait3A_302] : memref<11757x128xf32, #tpu.memory_space<hbm>> -> memref<11757x128xf32, #tpu.memory_space<hbm>>
    tpu.wait_indirect_dma semaphore(%arg20 : memref<!tpu.dma_semaphore, #tpu.memory_space<semaphore_mem>>) src(%dma_wait3A_303 : memref<11757x128xf32, #tpu.memory_space<hbm>>) dst(%arg18 : memref<80x128xf32, #tpu.memory_space<vmem>>)
    %dma_wait3A_304 = arith.constant 3 : i32
    %dma_wait3A_305 = arith.constant 0 : i32
    %dma_wait3A_306 = tpu.memref_slice %arg11[%dma_wait3A_304, %dma_wait3A_305] : memref<4x80xi32, #tpu.memory_space<vmem>> -> memref<1x80xi32, #tpu.memory_space<vmem>>
    %dma_wait3A_307 = tpu.memref_squeeze %dma_wait3A_306 : memref<1x80xi32, #tpu.memory_space<vmem>> -> memref<80xi32, #tpu.memory_space<vmem>>
    %dma_wait3A_308 = arith.constant 0 : i32
    %dma_wait3A_309 = arith.constant 0 : i32
    %dma_wait3A_310 = tpu.memref_slice %arg5[%dma_wait3A_308, %dma_wait3A_309] : memref<11757x128xf32, #tpu.memory_space<hbm>> -> memref<11757x128xf32, #tpu.memory_space<hbm>>
    tpu.wait_indirect_dma semaphore(%arg20 : memref<!tpu.dma_semaphore, #tpu.memory_space<semaphore_mem>>) src(%dma_wait3A_310 : memref<11757x128xf32, #tpu.memory_space<hbm>>) dst(%arg19 : memref<80x128xf32, #tpu.memory_space<vmem>>)
    %add3A_311 = arith.constant 240 : i32
    %add3A_312 = arith.addi %mul3A_2, %add3A_311 : i32
    %dma_start3A_313 = arith.constant 0 : i32
    %dma_start3A_314 = tpu.memref_slice %arg7[%add3A_312, %dma_start3A_313] : memref<10240x128xf32, #tpu.memory_space<hbm>> -> memref<80x128xf32, #tpu.memory_space<hbm>>
    %dma_start3A_315 = arith.constant 0 : i32
    %dma_start3A_316 = tpu.memref_slice %arg7[%add3A_312, %dma_start3A_315] : memref<10240x128xf32, #tpu.memory_space<hbm>> -> memref<80x128xf32, #tpu.memory_space<hbm>>
    tpu.enqueue_dma source(%arg16 : memref<80x128xf32, #tpu.memory_space<vmem>>) target(%dma_start3A_316 : memref<80x128xf32, #tpu.memory_space<hbm>>) target_semaphore(%arg21 : memref<!tpu.dma_semaphore, #tpu.memory_space<semaphore_mem>>)
    %dma_start3A_317 = arith.constant 0 : i32
    %dma_start3A_318 = tpu.memref_slice %arg8[%add3A_312, %dma_start3A_317] : memref<10240x128xf32, #tpu.memory_space<hbm>> -> memref<80x128xf32, #tpu.memory_space<hbm>>
    %dma_start3A_319 = arith.constant 0 : i32
    %dma_start3A_320 = tpu.memref_slice %arg8[%add3A_312, %dma_start3A_319] : memref<10240x128xf32, #tpu.memory_space<hbm>> -> memref<80x128xf32, #tpu.memory_space<hbm>>
    tpu.enqueue_dma source(%arg17 : memref<80x128xf32, #tpu.memory_space<vmem>>) target(%dma_start3A_320 : memref<80x128xf32, #tpu.memory_space<hbm>>) target_semaphore(%arg21 : memref<!tpu.dma_semaphore, #tpu.memory_space<semaphore_mem>>)
    %dma_start3A_321 = arith.constant 0 : i32
    %dma_start3A_322 = tpu.memref_slice %arg9[%add3A_312, %dma_start3A_321] : memref<10240x128xf32, #tpu.memory_space<hbm>> -> memref<80x128xf32, #tpu.memory_space<hbm>>
    %dma_start3A_323 = arith.constant 0 : i32
    %dma_start3A_324 = tpu.memref_slice %arg9[%add3A_312, %dma_start3A_323] : memref<10240x128xf32, #tpu.memory_space<hbm>> -> memref<80x128xf32, #tpu.memory_space<hbm>>
    tpu.enqueue_dma source(%arg18 : memref<80x128xf32, #tpu.memory_space<vmem>>) target(%dma_start3A_324 : memref<80x128xf32, #tpu.memory_space<hbm>>) target_semaphore(%arg21 : memref<!tpu.dma_semaphore, #tpu.memory_space<semaphore_mem>>)
    %dma_start3A_325 = arith.constant 0 : i32
    %dma_start3A_326 = tpu.memref_slice %arg10[%add3A_312, %dma_start3A_325] : memref<10240x128xf32, #tpu.memory_space<hbm>> -> memref<80x128xf32, #tpu.memory_space<hbm>>
    %dma_start3A_327 = arith.constant 0 : i32
    %dma_start3A_328 = tpu.memref_slice %arg10[%add3A_312, %dma_start3A_327] : memref<10240x128xf32, #tpu.memory_space<hbm>> -> memref<80x128xf32, #tpu.memory_space<hbm>>
    tpu.enqueue_dma source(%arg19 : memref<80x128xf32, #tpu.memory_space<vmem>>) target(%dma_start3A_328 : memref<80x128xf32, #tpu.memory_space<hbm>>) target_semaphore(%arg21 : memref<!tpu.dma_semaphore, #tpu.memory_space<semaphore_mem>>)
    %dma_wait3A_329 = arith.constant 0 : i32
    %dma_wait3A_330 = tpu.memref_slice %arg7[%add3A_266, %dma_wait3A_329] : memref<10240x128xf32, #tpu.memory_space<hbm>> -> memref<80x128xf32, #tpu.memory_space<hbm>>
    %dma_wait3A_331 = arith.constant 0 : i32
    %dma_wait3A_332 = tpu.memref_slice %arg7[%add3A_266, %dma_wait3A_331] : memref<10240x128xf32, #tpu.memory_space<hbm>> -> memref<80x128xf32, #tpu.memory_space<hbm>>
    tpu.wait_dma2 semaphore(%arg21 : memref<!tpu.dma_semaphore, #tpu.memory_space<semaphore_mem>>) src(%arg12 : memref<80x128xf32, #tpu.memory_space<vmem>>) dst(%dma_wait3A_332 : memref<80x128xf32, #tpu.memory_space<hbm>>)
    %dma_wait3A_333 = arith.constant 0 : i32
    %dma_wait3A_334 = tpu.memref_slice %arg8[%add3A_266, %dma_wait3A_333] : memref<10240x128xf32, #tpu.memory_space<hbm>> -> memref<80x128xf32, #tpu.memory_space<hbm>>
    %dma_wait3A_335 = arith.constant 0 : i32
    %dma_wait3A_336 = tpu.memref_slice %arg8[%add3A_266, %dma_wait3A_335] : memref<10240x128xf32, #tpu.memory_space<hbm>> -> memref<80x128xf32, #tpu.memory_space<hbm>>
    tpu.wait_dma2 semaphore(%arg21 : memref<!tpu.dma_semaphore, #tpu.memory_space<semaphore_mem>>) src(%arg13 : memref<80x128xf32, #tpu.memory_space<vmem>>) dst(%dma_wait3A_336 : memref<80x128xf32, #tpu.memory_space<hbm>>)
    %dma_wait3A_337 = arith.constant 0 : i32
    %dma_wait3A_338 = tpu.memref_slice %arg9[%add3A_266, %dma_wait3A_337] : memref<10240x128xf32, #tpu.memory_space<hbm>> -> memref<80x128xf32, #tpu.memory_space<hbm>>
    %dma_wait3A_339 = arith.constant 0 : i32
    %dma_wait3A_340 = tpu.memref_slice %arg9[%add3A_266, %dma_wait3A_339] : memref<10240x128xf32, #tpu.memory_space<hbm>> -> memref<80x128xf32, #tpu.memory_space<hbm>>
    tpu.wait_dma2 semaphore(%arg21 : memref<!tpu.dma_semaphore, #tpu.memory_space<semaphore_mem>>) src(%arg14 : memref<80x128xf32, #tpu.memory_space<vmem>>) dst(%dma_wait3A_340 : memref<80x128xf32, #tpu.memory_space<hbm>>)
    %dma_wait3A_341 = arith.constant 0 : i32
    %dma_wait3A_342 = tpu.memref_slice %arg10[%add3A_266, %dma_wait3A_341] : memref<10240x128xf32, #tpu.memory_space<hbm>> -> memref<80x128xf32, #tpu.memory_space<hbm>>
    %dma_wait3A_343 = arith.constant 0 : i32
    %dma_wait3A_344 = tpu.memref_slice %arg10[%add3A_266, %dma_wait3A_343] : memref<10240x128xf32, #tpu.memory_space<hbm>> -> memref<80x128xf32, #tpu.memory_space<hbm>>
    tpu.wait_dma2 semaphore(%arg21 : memref<!tpu.dma_semaphore, #tpu.memory_space<semaphore_mem>>) src(%arg15 : memref<80x128xf32, #tpu.memory_space<vmem>>) dst(%dma_wait3A_344 : memref<80x128xf32, #tpu.memory_space<hbm>>)
    %dma_wait3A_345 = arith.constant 0 : i32
    %dma_wait3A_346 = tpu.memref_slice %arg7[%add3A_312, %dma_wait3A_345] : memref<10240x128xf32, #tpu.memory_space<hbm>> -> memref<80x128xf32, #tpu.memory_space<hbm>>
    %dma_wait3A_347 = arith.constant 0 : i32
    %dma_wait3A_348 = tpu.memref_slice %arg7[%add3A_312, %dma_wait3A_347] : memref<10240x128xf32, #tpu.memory_space<hbm>> -> memref<80x128xf32, #tpu.memory_space<hbm>>
    tpu.wait_dma2 semaphore(%arg21 : memref<!tpu.dma_semaphore, #tpu.memory_space<semaphore_mem>>) src(%arg16 : memref<80x128xf32, #tpu.memory_space<vmem>>) dst(%dma_wait3A_348 : memref<80x128xf32, #tpu.memory_space<hbm>>)
    %dma_wait3A_349 = arith.constant 0 : i32
    %dma_wait3A_350 = tpu.memref_slice %arg8[%add3A_312, %dma_wait3A_349] : memref<10240x128xf32, #tpu.memory_space<hbm>> -> memref<80x128xf32, #tpu.memory_space<hbm>>
    %dma_wait3A_351 = arith.constant 0 : i32
    %dma_wait3A_352 = tpu.memref_slice %arg8[%add3A_312, %dma_wait3A_351] : memref<10240x128xf32, #tpu.memory_space<hbm>> -> memref<80x128xf32, #tpu.memory_space<hbm>>
    tpu.wait_dma2 semaphore(%arg21 : memref<!tpu.dma_semaphore, #tpu.memory_space<semaphore_mem>>) src(%arg17 : memref<80x128xf32, #tpu.memory_space<vmem>>) dst(%dma_wait3A_352 : memref<80x128xf32, #tpu.memory_space<hbm>>)
    %dma_wait3A_353 = arith.constant 0 : i32
    %dma_wait3A_354 = tpu.memref_slice %arg9[%add3A_312, %dma_wait3A_353] : memref<10240x128xf32, #tpu.memory_space<hbm>> -> memref<80x128xf32, #tpu.memory_space<hbm>>
    %dma_wait3A_355 = arith.constant 0 : i32
    %dma_wait3A_356 = tpu.memref_slice %arg9[%add3A_312, %dma_wait3A_355] : memref<10240x128xf32, #tpu.memory_space<hbm>> -> memref<80x128xf32, #tpu.memory_space<hbm>>
    tpu.wait_dma2 semaphore(%arg21 : memref<!tpu.dma_semaphore, #tpu.memory_space<semaphore_mem>>) src(%arg18 : memref<80x128xf32, #tpu.memory_space<vmem>>) dst(%dma_wait3A_356 : memref<80x128xf32, #tpu.memory_space<hbm>>)
    %dma_wait3A_357 = arith.constant 0 : i32
    %dma_wait3A_358 = tpu.memref_slice %arg10[%add3A_312, %dma_wait3A_357] : memref<10240x128xf32, #tpu.memory_space<hbm>> -> memref<80x128xf32, #tpu.memory_space<hbm>>
    %dma_wait3A_359 = arith.constant 0 : i32
    %dma_wait3A_360 = tpu.memref_slice %arg10[%add3A_312, %dma_wait3A_359] : memref<10240x128xf32, #tpu.memory_space<hbm>> -> memref<80x128xf32, #tpu.memory_space<hbm>>
    tpu.wait_dma2 semaphore(%arg21 : memref<!tpu.dma_semaphore, #tpu.memory_space<semaphore_mem>>) src(%arg19 : memref<80x128xf32, #tpu.memory_space<vmem>>) dst(%dma_wait3A_360 : memref<80x128xf32, #tpu.memory_space<hbm>>)
    return
  }
}

module attributes {stable_mosaic.version = 14 : i64} {
  func.func @_proj_body(%arg0: i32, %arg1: memref<512x128xf32, #tpu.memory_space<vmem>>, %arg2: memref<512x4096xf32, #tpu.memory_space<vmem>>, %arg3: memref<512x1000xf32, #tpu.memory_space<vmem>>, %arg4: memref<4096x128xf32, #tpu.memory_space<vmem>>, %arg5: memref<1x128xf32, #tpu.memory_space<vmem>>, %arg6: memref<1000x128xf32, #tpu.memory_space<vmem>>, %arg7: memref<1x128xf32, #tpu.memory_space<vmem>>, %arg8: memref<512x128xf32, #tpu.memory_space<vmem>>, %arg9: memref<512x128xf32, #tpu.memory_space<vmem>>, %arg10: memref<512x128xf32, #tpu.memory_space<vmem>>) attributes {dimension_semantics = [#tpu.dimension_semantics<arbitrary>], iteration_bounds = array<i64: 23>, scalar_prefetch = 0 : i64, scratch_operands = 0 : i64, tpu.core_type = #tpu.core_type<tc>, window_params = [{transform_indices = @transform_0, window_bounds = array<i64: 512, 128>}, {transform_indices = @transform_1, window_bounds = array<i64: 512, 4096>}, {transform_indices = @transform_2, window_bounds = array<i64: 512, 1000>}, {pipeline_mode = #tpu.pipeline_mode<synchronous>, transform_indices = @transform_3, window_bounds = array<i64: 4096, 128>}, {pipeline_mode = #tpu.pipeline_mode<synchronous>, transform_indices = @transform_4, window_bounds = array<i64: 1, 128>}, {pipeline_mode = #tpu.pipeline_mode<synchronous>, transform_indices = @transform_5, window_bounds = array<i64: 1000, 128>}, {pipeline_mode = #tpu.pipeline_mode<synchronous>, transform_indices = @transform_6, window_bounds = array<i64: 1, 128>}, {transform_indices = @transform_7, window_bounds = array<i64: 512, 128>}, {transform_indices = @transform_8, window_bounds = array<i64: 512, 128>}, {transform_indices = @transform_9, window_bounds = array<i64: 512, 128>}]} {
    %get3A = arith.constant 0 : index
    %get3A_0 = arith.constant 0 : index
    %get3A_1 = vector.load %arg2[%get3A, %get3A_0] : memref<512x4096xf32, #tpu.memory_space<vmem>>, vector<512x4096xf32>
    %get3A_2 = arith.constant 0 : index
    %get3A_3 = arith.constant 0 : index
    %get3A_4 = vector.load %arg4[%get3A_2, %get3A_3] : memref<4096x128xf32, #tpu.memory_space<vmem>>, vector<4096x128xf32>
    %dot_general3A = arith.constant dense<0.000000e+00> : vector<512x128xf32>
    %dot_general3A_5 = tpu.matmul %get3A_1, %get3A_4, %dot_general3A {dimension_numbers = #tpu.dot_dimension_numbers<[1], [0], [0], [1], [0, 0, 1, 1], [], []>, transpose_lhs_hint = false} : vector<512x4096xf32>, vector<4096x128xf32>, vector<512x128xf32> -> vector<512x128xf32>
    %get3A_6 = arith.constant 0 : index
    %get3A_7 = arith.constant 0 : index
    %get3A_8 = vector.load %arg5[%get3A_6, %get3A_7] : memref<1x128xf32, #tpu.memory_space<vmem>>, vector<1x128xf32>
    %add3A = vector.broadcast %get3A_8 : vector<1x128xf32> to vector<512x128xf32>
    %add3A_9 = arith.addf %dot_general3A_5, %add3A : vector<512x128xf32>
    %get3A_10 = arith.constant 0 : index
    %get3A_11 = arith.constant 0 : index
    %get3A_12 = vector.load %arg3[%get3A_10, %get3A_11] : memref<512x1000xf32, #tpu.memory_space<vmem>>, vector<512x1000xf32>
    %get3A_13 = arith.constant 0 : index
    %get3A_14 = arith.constant 0 : index
    %get3A_15 = vector.load %arg6[%get3A_13, %get3A_14] : memref<1000x128xf32, #tpu.memory_space<vmem>>, vector<1000x128xf32>
    %dot_general3A_16 = arith.constant dense<0.000000e+00> : vector<512x128xf32>
    %dot_general3A_17 = tpu.matmul %get3A_12, %get3A_15, %dot_general3A_16 {dimension_numbers = #tpu.dot_dimension_numbers<[1], [0], [0], [1], [0, 0, 1, 1], [], []>, transpose_lhs_hint = false} : vector<512x1000xf32>, vector<1000x128xf32>, vector<512x128xf32> -> vector<512x128xf32>
    %get3A_18 = arith.constant 0 : index
    %get3A_19 = arith.constant 0 : index
    %get3A_20 = vector.load %arg7[%get3A_18, %get3A_19] : memref<1x128xf32, #tpu.memory_space<vmem>>, vector<1x128xf32>
    %add3A_21 = vector.broadcast %get3A_20 : vector<1x128xf32> to vector<512x128xf32>
    %add3A_22 = arith.addf %dot_general3A_17, %add3A_21 : vector<512x128xf32>
    %swap3A = arith.constant 0 : index
    %swap3A_23 = arith.constant 0 : index
    %swap3A_24 = vector.load %arg8[%swap3A, %swap3A_23] : memref<512x128xf32, #tpu.memory_space<vmem>>, vector<512x128xf32>
    tpu.vector_store %arg8[%swap3A, %swap3A_23], %add3A_9 {strides = array<i32>} : memref<512x128xf32, #tpu.memory_space<vmem>>, vector<512x128xf32>,
    %swap3A_25 = arith.constant 0 : index
    %swap3A_26 = arith.constant 0 : index
    %swap3A_27 = vector.load %arg9[%swap3A_25, %swap3A_26] : memref<512x128xf32, #tpu.memory_space<vmem>>, vector<512x128xf32>
    tpu.vector_store %arg9[%swap3A_25, %swap3A_26], %add3A_22 {strides = array<i32>} : memref<512x128xf32, #tpu.memory_space<vmem>>, vector<512x128xf32>,
    %get3A_28 = arith.constant 0 : index
    %get3A_29 = arith.constant 0 : index
    %get3A_30 = vector.load %arg1[%get3A_28, %get3A_29] : memref<512x128xf32, #tpu.memory_space<vmem>>, vector<512x128xf32>
    %add3A_31 = arith.addf %get3A_30, %add3A_9 : vector<512x128xf32>
    %add3A_32 = arith.addf %add3A_31, %add3A_22 : vector<512x128xf32>
    %swap3A_33 = arith.constant 0 : index
    %swap3A_34 = arith.constant 0 : index
    %swap3A_35 = vector.load %arg10[%swap3A_33, %swap3A_34] : memref<512x128xf32, #tpu.memory_space<vmem>>, vector<512x128xf32>
    tpu.vector_store %arg10[%swap3A_33, %swap3A_34], %add3A_32 {strides = array<i32>} : memref<512x128xf32, #tpu.memory_space<vmem>>, vector<512x128xf32>,
    return
  }
  func.func @transform_0(%arg0: i32) -> (i32, i32) {
    %c0_i32 = arith.constant 0 : i32
    %c0_i32_0 = arith.constant 0 : i32
    return %arg0, %c0_i32 : i32, i32
  }
  func.func @transform_1(%arg0: i32) -> (i32, i32) {
    %c0_i32 = arith.constant 0 : i32
    %c0_i32_0 = arith.constant 0 : i32
    return %arg0, %c0_i32 : i32, i32
  }
  func.func @transform_2(%arg0: i32) -> (i32, i32) {
    %c0_i32 = arith.constant 0 : i32
    %c0_i32_0 = arith.constant 0 : i32
    return %arg0, %c0_i32 : i32, i32
  }
  func.func @transform_3(%arg0: i32) -> (i32, i32) {
    %c0_i32 = arith.constant 0 : i32
    %c0_i32_0 = arith.constant 0 : i32
    %c0_i32_1 = arith.constant 0 : i32
    return %c0_i32, %c0_i32_0 : i32, i32
  }
  func.func @transform_4(%arg0: i32) -> (i32, i32) {
    %c0_i32 = arith.constant 0 : i32
    %c0_i32_0 = arith.constant 0 : i32
    %c0_i32_1 = arith.constant 0 : i32
    return %c0_i32, %c0_i32_0 : i32, i32
  }
  func.func @transform_5(%arg0: i32) -> (i32, i32) {
    %c0_i32 = arith.constant 0 : i32
    %c0_i32_0 = arith.constant 0 : i32
    %c0_i32_1 = arith.constant 0 : i32
    return %c0_i32, %c0_i32_0 : i32, i32
  }
  func.func @transform_6(%arg0: i32) -> (i32, i32) {
    %c0_i32 = arith.constant 0 : i32
    %c0_i32_0 = arith.constant 0 : i32
    %c0_i32_1 = arith.constant 0 : i32
    return %c0_i32, %c0_i32_0 : i32, i32
  }
  func.func @transform_7(%arg0: i32) -> (i32, i32) {
    %c0_i32 = arith.constant 0 : i32
    %c0_i32_0 = arith.constant 0 : i32
    return %arg0, %c0_i32 : i32, i32
  }
  func.func @transform_8(%arg0: i32) -> (i32, i32) {
    %c0_i32 = arith.constant 0 : i32
    %c0_i32_0 = arith.constant 0 : i32
    return %arg0, %c0_i32 : i32, i32
  }
  func.func @transform_9(%arg0: i32) -> (i32, i32) {
    %c0_i32 = arith.constant 0 : i32
    %c0_i32_0 = arith.constant 0 : i32
    return %arg0, %c0_i32 : i32, i32
  }
}

</mosaic_0001>

<sc_bundles>
// kernel: kernel.4.cloned.1.call-start
scs
__scs_entry_jumppad:
0x0: {  	(pc) =	sbr.rel $0x88, $3  }
0x1: {  	(tag) =	ssettag $0x0;
	lr =	simm.s32 $0x1  }
0x2: {  	[smem:$0x3F99] =	sst lr;
	_ =	strace $0xD0000000  }
0x3: {  	_ = 	snop  }
0x4: {  	_ = 	snop  }
0x5: {  	_ = 	snop  }
0x6: {  	_ = 	snop  }
0x7: {  	_ = 	snop  }
__scs_overlays_trampoline_lowered:
0x8: {  	[smem:$0x3FA8] =	sst s0  }
0x9: {  	[smem:$0x3FA9] =	sst s1  }
0xa: {  	[smem:$0x3FAA] =	sst s2  }
0xb: {  	[smem:$0x3FAB] =	sst s3  }
0xc: {  	[smem:$0x3FAC] =	sst s4  }
0xd: {  	[smem:$0x3FAD] =	sst s5  }
0xe: {  	[smem:$0x3FAE] =	sst s6  }
0xf: {  	[smem:$0x3FAF] =	sst s7  }
0x10: {  	[smem:$0x3FB0] =	sst s8  }
0x11: {  	[smem:$0x3FB1] =	sst s9;
	s0 =	simm.s32 @!p0 $0x0  }
0x12: {  	s1 =	sld [smem:$0x3F97];
	s0 =	simm.s32 @p0 $0x1  }
0x13: {  	[smem:$0x3FB2] =	sst s0;
	s0 =	simm.s32 @!p1 $0x0  }
0x14: {  	s2 =	sld [smem:$0x3F96];
	s0 =	simm.s32 @p1 $0x1  }
0x15: {  	[smem:$0x3FB3] =	sst s0;
	s0 =	simm.s32 @!p2 $0x0  }
0x16: {  	s3 =	sld [smem:$0x3FDB];
	s0 =	simm.s32 @p2 $0x1  }
0x17: {  	s4 =	simm.s32 $0x1BF5;
	[smem:$0x3FB5] =	sst s0  }
0x18: {  	s0 =	sld [smem:$0x3F98];
	_ =	swait.ge [sflag:s4], $0x0  }
0x19: {  	s7 =	sld [smem:$0x3F99]  }
0x1a: {  	s8 =	sadd.s32 $0xFFFFE003, lr  }
0x1b: {  	s9 =	sadd.s32 $0xFFFFFEF7, lr;
	s5 =	simm.s32 $0xFFFFFFFF;
	p2 =	slt.u32 s8, $0xFFFFF086  }
0x1c: {  	p1 =	slt.u32 s9, $0xF7A;
	s5 =	simm.s32 @!p2 $0x0  }
0x1d: {  	s5 =	simm.s32 @p1 $0x1;
	p0 =	seq.s32 s7, s2  }
0x1e: {  	s7 =	smul.u32 @!p0 $0xF7A, s2;
	p2 =	seq.s32 @!p0 s5, $0x0  }
0x1f: {  	s9 =	smul.u32 $0xF7A, s1;
	s8 =	simm.s32 @!p0 $0x1BF5;
	p2 =	por !p2, p0  }
0x20: {  	[sflag:s8] =	ssyncset.s32 @!p0 $0xFFFFF086;
	s6 =	sadd.s32 @!p0 s3, s7;
	s7 =	simm.s32 @!p0 $0x108  }
0x21: {  	s3 =	sadd.s32 s3, s9;
	s6 =	sadd.s32 @!p0 $0x88, s6;
	s7 =	simm.s32 @p2 $0x1082  }
0x22: {  	[simem:s7], [sflag:s8] =	dma.local @!p0 [hbm:s6], $0xF7A  }
0x23: {  	s9 =	sor.u32 $0xD0000000, s2;
	s6 =	simm.s32 $0x108;
	_ =	swait.ge @!p0 [sflag:s8], $0x0  }
0x24: {  	s3 =	sadd.s32 $0x88, s3;
	s6 =	simm.s32 @!p1 $0x1082;
	[sflag:s4] =	ssyncset.s32 $0xFFFFF086  }
0x25: {  	[simem:s6], [sflag:s4] =	dma.local [hbm:s3], $0xF7A  }
0x26: {  	[smem:$0x3F99] =	sst s1;
	(tag) =	ssettag s2;
	_ =	strace s9  }
0x27: {  	s1 =	sld [smem:$0x3FA9]  }
0x28: {  	s2 =	sld [smem:$0x3FAA]  }
0x29: {  	s4 =	sld [smem:$0x3FAC]  }
0x2a: {  	p0 =	seq.s32 s5, $0x0;
	s5 =	sld [smem:$0x3FAD]  }
0x2b: {  	s6 =	sld [smem:$0x3FAE]  }
0x2c: {  	s7 =	sld [smem:$0x3FAF]  }
0x2d: {  	s3 =	simm.s32 $0x108;
	s8 =	sld [smem:$0x3FB0]  }
0x2e: {  	s3 =	simm.s32 @!p0 $0x1082;
	s9 =	sld [smem:$0x3FB1]  }
0x2f: {  	lr =	sadd.s32 s0, s3;
	s0 =	sld [smem:$0x3FA8]  }
0x30: {  	s3 =	sld [smem:$0x3FAB]  }
0x31: {  	[smem:$0x3FB4] =	sst s10  }
0x32: {  	s10 =	sld [smem:$0x3FB2];
	_ =	sdelay $0x3  }
0x33: {  	p0 =	seq.s32 s10, $0x1;
	s10 =	sld [smem:$0x3FB4];
	_ =	sdelay $0x3  }
0x34: {  	[smem:$0x3FB4] =	sst s10  }
0x35: {  	s10 =	sld [smem:$0x3FB3];
	_ =	sdelay $0x3  }
0x36: {  	p1 =	seq.s32 s10, $0x1;
	s10 =	sld [smem:$0x3FB4];
	_ =	sdelay $0x3  }
0x37: {  	[smem:$0x3FB4] =	sst s10  }
0x38: {  	s10 =	sld [smem:$0x3FB5]  }
0x39: {  	_ = 	snop;
	(pc) =	sbr.ind lr, $3  }
0x3a: {  	_ = 	snop  }
0x3b: {  	_ = 	snop  }
0x3c: {  	p2 =	seq.s32 s10, $0x1;
	s10 =	sld [smem:$0x3FB4]  }
0x3d: {  	_ =	shalt  }
0x3e: {  	_ =	shalt  }
0x3f: {  	_ =	shalt  }
0x40: {  	_ =	shalt  }
0x41: {  	_ =	shalt  }
0x42: {  	_ =	shalt  }
0x43: {  	_ =	shalt  }
0x44: {  	_ =	shalt  }
0x45: {  	_ =	shalt  }
0x46: {  	_ =	shalt  }
0x47: {  	_ =	shalt  }
0x48: {  	_ =	shalt  }
0x49: {  	_ =	shalt  }
0x4a: {  	_ =	shalt  }
0x4b: {  	_ =	shalt  }
0x4c: {  	_ =	shalt  }
0x4d: {  	_ =	shalt  }
0x4e: {  	_ =	shalt  }
0x4f: {  	_ =	shalt  }
0x50: {  	_ =	shalt  }
0x51: {  	_ =	shalt  }
0x52: {  	_ =	shalt  }
0x53: {  	_ =	shalt  }
0x54: {  	_ =	shalt  }
0x55: {  	_ =	shalt  }
0x56: {  	_ =	shalt  }
0x57: {  	_ =	shalt  }
0x58: {  	_ =	shalt  }
0x59: {  	_ =	shalt  }
0x5a: {  	_ =	shalt  }
0x5b: {  	_ =	shalt  }
0x5c: {  	_ =	shalt  }
0x5d: {  	_ =	shalt  }
0x5e: {  	_ =	shalt  }
0x5f: {  	_ =	shalt  }
0x60: {  	_ =	shalt  }
0x61: {  	_ =	shalt  }
0x62: {  	_ =	shalt  }
0x63: {  	_ =	shalt  }
0x64: {  	_ =	shalt  }
0x65: {  	_ =	shalt  }
0x66: {  	_ =	shalt  }
0x67: {  	_ =	shalt  }
0x68: {  	_ =	shalt  }
0x69: {  	_ =	shalt  }
0x6a: {  	_ =	shalt  }
0x6b: {  	_ =	shalt  }
0x6c: {  	_ =	shalt  }
0x6d: {  	_ =	shalt  }
0x6e: {  	_ =	shalt  }
0x6f: {  	_ =	shalt  }
0x70: {  	_ =	shalt  }
0x71: {  	_ =	shalt  }
0x72: {  	_ =	shalt  }
0x73: {  	_ =	shalt  }
0x74: {  	_ =	shalt  }
0x75: {  	_ =	shalt  }
0x76: {  	_ =	shalt  }
0x77: {  	_ =	shalt  }
0x78: {  	_ =	shalt  }
0x79: {  	_ =	shalt  }
0x7a: {  	_ =	shalt  }
0x7b: {  	_ =	shalt  }
0x7c: {  	_ =	shalt  }
0x7d: {  	_ =	shalt  }
0x7e: {  	_ =	shalt  }
0x7f: {  	_ =	shalt  }
0x80: {  	_ =	shalt  }
0x81: {  	_ =	shalt  }
0x82: {  	_ =	shalt  }
0x83: {  	_ =	shalt  }
0x84: {  	_ =	shalt  }
0x85: {  	_ =	shalt  }
0x86: {  	_ =	shalt  }
0x87: {  	_ =	shalt  }
.Lfunc_end0:
.L_simem_size_0:
called_computation_lowered:
.L_overlay_start_0:
0x88: {  	s2 =	sld [smem:$0x3FD9]  }
0x89: {  	s3 =	sld [smem:$0x3FFE];
	_ =	sdelay $0x1  }
0x8a: {  	s1 =	srdreg.scid  }
0x8b: {  	s0 =	sand.u32 $0x1, s1  }
0x8c: {  	s14 =	sshll.u32 s0, $0xA;
	s2 =	sadd.s32 s3, s2  }
0x8d: {  	s2 =	sadd.s32 s2, s14  }
0x8e: {  	[smem:$0x3FC0] =	sst s2  }
0x8f: {  	_ = 	snop  }
0x90: {  	s2 =	sld [smem:$0x3FD0];
	_ =	sdelay $0x2  }
0x91: {  	s4 =	simm.s32 $0xA;
	s5 =	simm.s32 $0x10;
	s15 =	sld [smem:$0x3FC8]  }
0x92: {  	[smem:s5], [sflag:s4] =	dma.local [hbm:s2], $0x1  }
0x93: {  	_ =	swait.eq [sflag:s4], $0x1  }
0x94: {  	s16 =	sld [smem:$0x10]  }
0x95: {  	s17 =	sld [smem:$0x11];
	[sflag:s4] =	ssyncset.done $0x0  }
0x96: {  	s6 =	sld [smem:$0x12];
	[sflag:s4] =	ssyncadd.s32 $0xFFFFFFFF  }
0x97: {  	s18 =	sld [smem:$0x13];
	(tm) =	ssettm $0x1  }
0x98: {  	s7 =	sld [smem:$0x3FFB];
	_ =	sdelay $0x3  }
0x99: {  	_ =	strace s7  }
0x9a: {  	s7 =	sld [smem:$0x3FFC];
	_ =	sdelay $0x3  }
0x9b: {  	_ =	strace s7  }
0x9c: {  	s7 =	sld [smem:$0x3FFD];
	_ =	sdelay $0x3  }
0x9d: {  	_ =	strace s7  }
0x9e: {  	_ =	strace $0x8FFFFFFF  }
0x9f: {  	s19 =	sld [smem:$0x3FDB];
	_ =	sdelay $0x1  }
0xa0: {  	s8 =	simm.s32 $_scs_section_size  }
0xa1: {  	s9 =	simm.s32 $_size__tile_overlayer_lowered;
	s10 =	simm.s32 $_tile_overlayer_lowered  }
0xa2: {  	s22 =	simm.s32 $0x1BFF;
	s21 =	sshll.u32 s10, $0x1;
	s7 =	sadd.s32 s8, s19  }
0xa3: {  	s11 =	simm.s32 $0x0;
	s20 =	sshll.u32 s9, $0x1;
	s9 =	sadd.s32 s21, s7  }
0xa4: {  	[timem:s11], [sflag:s22] =	dma.local [hbm:s9], s20  }
0xa5: {  	_ =	swait.ge [sflag:s22], s20  }
0xa6: {  	s8 =	ssub.s32 $0x0, s20;
	[sflag:s22] =	ssyncset.done $0x0  }
0xa7: {  	[sflag:s22] =	ssyncadd.s32 s8;
	_ =	sdelay $0x1  }
0xa8: {  	s23 =	simm.s32 $0x1B8B  }
0xa9: {  	_ =	swait.ge [sflag:s23], $0x1  }
0xaa: {  	[sflag:s23] =	ssyncset.done $0x0  }
0xab: {  	s25 =	simm.s32 $0x1B8E;
	s24 =	sld [smem:$0x3FFE];
	[sflag:s23] =	ssyncadd.s32 $0xFFFFFFFF  }
0xac: {  	s26 =	simm.s32 $execute0_lowered;
	[smem:$0x3FD2] =	sst s25  }
0xad: {  	s9 =	sshll.u32 s26, $0x1;
	_ =	strace $0x80000046;
	[dreg:$0x1] =	wrdreg $0xFFFFFFFF  }
0xae: {  	s28 =	simm.s32 $_size_execute0_lowered;
	s7 =	sadd.s32 s7, s9;
	[dreg:$0x0] =	wrdreg $0x0  }
0xaf: {  	s9 =	sshll.u32 s28, $0x1;
	[dreg:$0x2] =	wrdreg s7  }
0xb0: {  	[dreg:$0x3] =	wrdreg s9  }
0xb1: {  	[dreg:$0x4] =	wrdreg $0xC0  }
0xb2: {  	_ =	task [dreg:s11], $0x5FFFF  }
0xb3: {  	[dreg:$0x1] =	wrdreg $0xFFFFFFFF  }
0xb4: {  	[dreg:$0x0] =	wrdreg $0x60  }
0xb5: {  	[dreg:$0x2] =	wrdreg s24  }
0xb6: {  	[dreg:$0x3] =	wrdreg s15  }
0xb7: {  	[dreg:$0x4] =	wrdreg s16  }
0xb8: {  	[dreg:$0x5] =	wrdreg s17  }
0xb9: {  	[dreg:$0x6] =	wrdreg s6  }
0xba: {  	[dreg:$0x7] =	wrdreg s18  }
0xbb: {  	[dreg:$0x8] =	wrdreg $0x9  }
0xbc: {  	_ =	task.clear_ibuf [dreg:s11], $0x9FFFF;
	_ =	strace $0x90000046  }
0xbd: {  	s29 =	simm.s32 $0x9;
	_ =	strace $0x80000048  }
0xbe: {  	_ =	swait.ge [sflag:s29], $0x1  }
0xbf: {  	[sflag:s29] =	ssyncadd.s32 $0xFFFFFFFF  }
0xc0: {  	_ =	strace $0x90000048  }
0xc1: {  	_ =	sfence  }
0xc2: {  	s30 =	sld [smem:$0x0];
	_ =	sdelay $0x2  }
0xc3: {  	s31 =	sshll.u32 s1, $0xD;
	s1 =	sshrl.u32 s1, $0x2  }
0xc4: {  	s3 =	sand.u32 $0x4000, s31;
	s1 =	sadd.s32 s1, s30  }
0xc5: {  	s0 =	sor.u32 s3, s0;
	s1 =	sshll.u32 s1, $0x11  }
0xc6: {  	s0 =	sor.u32 s1, s0  }
0xc7: {  	s0 =	sadd.s32 $0x8F2B, s0  }
0xc8: {  	[sflag:s0] =	ssyncadd.remote.s32 $0x1  }
0xc9: {  	_ =	sfence.sel $0xFFFF  }
0xca: {  	[dreg:$0x0] =	wrdreg $0xFFFFFFFF;
	(pc) =	sbr.abs _section_cstart, $3  }
0xcb: {  	[dreg:$0x1] =	wrdreg $0xFFFFFFFF  }
0xcc: {  	_ =	task.clear_ibuf [dreg:s11], $0x2FFFF;
	_ =	strace $0x9FFFFFFF  }
0xcd: {  	(tm) =	ssettm $0x7FFFFFFF  }
tec
execute0_lowered:
.L_overlay_start_1:
0x0: {  	(tag) =	ssettag $0x1  }
0x1: {  	s0 =	rddreg [dreg:$0x0]  }
0x2: {  	s3 =	rddreg [dreg:$0x1]  }
0x3: {  	s1 =	rddreg [dreg:$0x2]  }
0x4: {  	s6 =	rddreg [dreg:$0x3]  }
0x5: {  	s10 =	rddreg [dreg:$0x4];
	s2 =	srdreg.scid  }
0x6: {  	s4 =	stileid.u32;
	s11 =	rddreg [dreg:$0x5]  }
0x7: {  	s31 =	simm.s32 $0x3;
	s21 =	simm.s32 $0x50;
	s22 =	simm.s32 $0x200  }
0x8: {  	s23 =	simm.s32 $0x2A00;
	s30 =	simm.s32 $0x80;
	p0 =	por $0x0, $0x0  }
0x9: {  	s29 =	simm.s32 $0x100;
	s8 =	sand.u32 $0x1, s2;
	s4 =	sshll.u32 s4, $0x1  }
0xa: {  	s28 =	simm.s32 $0x180;
	s2 =	simm.s32 $0x0;
	s5 =	sor.u32 s8, s4  }
0xb: {  	[smem:$0x7FF] =	sst s2;
	s8 =	ssub.s32 $0x2, s8;
	s9 =	smul.u32 $0x1400, s5  }
0xc: {  	s4 =	sshll.u32 s5, $0x6;
	_ =	strace $0x80000047;
	s12 =	smul.u32 $0xA000, s5  }
0xd: {  	s5 =	sadd.s32 $0x2FA00, s0;
	s14 =	sshrl.u32 s8, $0x1;
	s7 =	sadd.s32 s4, s0  }
0xe: {  	s4 =	sadd.s32 $0x1A00, s0;
	s17 =	ssub.s32 s8, s14;
	s7 =	sadd.s32 $0x171200, s7  }
0xf: {  	s24 =	sadd.s32 s1, s9;
	s25 =	sadd.s32 s6, s9;
	[dreg:$0x7] =	wrdreg s7  }
0x10: {  	s26 =	sadd.s32 s10, s9;
	s16 =	sshrl.u32 s12, $0x3;
	[dreg:$0x8] =	wrdreg s24  }
0x11: {  	s9 =	sadd.s32 s11, s9;
	s20 =	smax.u32 s17, $0x1;
	[dreg:$0x9] =	wrdreg s25  }
0x12: {  	s17 =	simm.s32 $0xA200;
	[dreg:$0xa] =	wrdreg s26;
	s12 =	sadd.s32 $0x500, s16  }
0x13: {  	s7 =	sadd.s32 $0x5DA00, s0;
	[dreg:$0xb] =	wrdreg s9;
	s18 =	sadd.s32 $0xA00, s16  }
0x14: {  	s19 =	sadd.s32 $0xF00, s16;
	s24 =	simm.s32 $0x5200;
	s25 =	simm.s32 $0x7A00  }
0x15: {  	s16 =	simm.s32 $0x1;
	p1 =	sne.s32 s20, $0x1;
	s9 =	sadd.s32 s1, s12  }
0x16: {  	s13 =	sadd.s32 s6, s12;
	s15 =	sadd.s32 s10, s12;
	s26 =	sadd.s32 s11, s12  }
0x17: {  	s12 =	sadd.s32 s1, s18;
	s14 =	sadd.s32 s10, s18;
	s0 =	rddreg [dreg:$0x7]  }
.Ltmp0:
0x18: {  	s8 =	sadd.s32 s1, s19;
	[dreg:$0xc] =	wrdreg s9;
	(pc) =	sbr.rel @!p1 .LBB2_3-.Ltmp0, $4  }
0x19: {  	s10 =	sadd.s32 s10, s19;
	s1 =	sadd.s32 $0xFFFFFFFF, s20;
	[dreg:$0xd] =	wrdreg s13  }
0x1a: {  	s20 =	simm.s32 $0x11A00;
	[dreg:$0xe] =	wrdreg s15;
	s13 =	sadd.s32 s6, s18  }
0x1b: {  	s15 =	sadd.s32 s11, s18;
	s9 =	sadd.s32 s6, s19;
	s11 =	sadd.s32 s11, s19  }
0x1c: {  	s18 =	simm.s32 $0xCA00;
	s19 =	simm.s32 $0xF200;
	s6 =	simm.s32 $0x2  }
0x1d: {  	[tilespmem:s2], [sflag:$0x3] =	stream.linear.gather [hbm4b:s0+s2], $0x200, $0x38;
	[tilespmem:$0x14200] =	vst v63  }
0x1e: {  	_ =	swait.ge [sflag:s31], $0x200  }
0x1f: {  	[sflag:s31] =	ssyncset.done $0x0  }
0x20: {  	[sflag:s31] =	ssyncadd.s32 $0xFFFFFE00  }
0x21: {  	[tilespmem:s22], [sflag:$0x1] =	stream.indirect.gather [hbm4b:s4+s21], $0x80, s2, s21, $0xb8;
	[tilespmem:$0x14200] =	vst v63  }
0x22: {  	_ = 	snop  }
0x23: {  	[tilespmem:s23], [sflag:$0x1] =	stream.indirect.gather [hbm4b:s3+s21], $0x80, s2, s21, $0xb8;
	[tilespmem:$0x14200] =	vst v63  }
0x24: {  	_ = 	snop  }
0x25: {  	[tilespmem:s24], [sflag:$0x1] =	stream.indirect.gather [hbm4b:s5+s21], $0x80, s2, s21, $0xb8;
	[tilespmem:$0x14200] =	vst v63  }
0x26: {  	_ = 	snop  }
0x27: {  	[tilespmem:s25], [sflag:$0x1] =	stream.indirect.gather [hbm4b:s7+s21], $0x80, s2, s21, $0xb8;
	[tilespmem:$0x14200] =	vst v63  }
0x28: {  	_ =	swait.ge [sflag:s16], $0x2800  }
0x29: {  	[sflag:s16] =	ssyncset.done $0x0  }
0x2a: {  	[sflag:s16] =	ssyncadd.s32 $0xFFFFD800  }
0x2b: {  	_ =	swait.ge [sflag:s16], $0x2800  }
0x2c: {  	[sflag:s16] =	ssyncset.done $0x0  }
0x2d: {  	[sflag:s16] =	ssyncadd.s32 $0xFFFFD800  }
0x2e: {  	_ =	swait.ge [sflag:s16], $0x2800  }
0x2f: {  	[sflag:s16] =	ssyncset.done $0x0  }
0x30: {  	[sflag:s16] =	ssyncadd.s32 $0xFFFFD800  }
0x31: {  	_ =	swait.ge [sflag:s16], $0x2800  }
0x32: {  	[sflag:s16] =	ssyncset.done $0x0  }
0x33: {  	[sflag:s16] =	ssyncadd.s32 $0xFFFFD800  }
0x34: {  	[tilespmem:s17], [sflag:$0x1] =	stream.indirect.gather [hbm4b:s4+s21], $0x80, s30, s21, $0xb8;
	[tilespmem:$0x14200] =	vst v63  }
0x35: {  	_ = 	snop  }
0x36: {  	[tilespmem:s18], [sflag:$0x1] =	stream.indirect.gather [hbm4b:s3+s21], $0x80, s30, s21, $0xb8;
	[tilespmem:$0x14200] =	vst v63  }
0x37: {  	_ = 	snop  }
0x38: {  	[tilespmem:s19], [sflag:$0x1] =	stream.indirect.gather [hbm4b:s5+s21], $0x80, s30, s21, $0xb8;
	[tilespmem:$0x14200] =	vst v63  }
0x39: {  	[dreg:$0xf] =	wrdreg s1  }
0x3a: {  	[tilespmem:s20], [sflag:$0x1] =	stream.indirect.gather [hbm4b:s7+s21], $0x80, s30, s21, $0xb8;
	[tilespmem:$0x14200] =	vst v63  }
0x3b: {  	s0 =	rddreg [dreg:$0x8]  }
0x3c: {  	[hbm4b:s0+s2] =	stream.linear.scatter [tilespmem:s22], [sflag:$0x2], $0x2800, $0x38;
	[tilespmem:$0x14200] =	vst v63  }
0x3d: {  	s1 =	rddreg [dreg:$0x9]  }
0x3e: {  	[hbm4b:s1+s2] =	stream.linear.scatter [tilespmem:s23], [sflag:$0x2], $0x2800, $0x38;
	[tilespmem:$0x14200] =	vst v63  }
0x3f: {  	s0 =	rddreg [dreg:$0xa]  }
0x40: {  	[hbm4b:s0+s2] =	stream.linear.scatter [tilespmem:s24], [sflag:$0x2], $0x2800, $0x38;
	[tilespmem:$0x14200] =	vst v63  }
0x41: {  	s1 =	rddreg [dreg:$0xb]  }
0x42: {  	[hbm4b:s1+s2] =	stream.linear.scatter [tilespmem:s25], [sflag:$0x2], $0x2800, $0x38;
	[tilespmem:$0x14200] =	vst v63  }
0x43: {  	_ =	swait.ge [sflag:s16], $0x2800  }
0x44: {  	[sflag:s16] =	ssyncset.done $0x0  }
0x45: {  	[sflag:s16] =	ssyncadd.s32 $0xFFFFD800  }
0x46: {  	_ =	swait.ge [sflag:s16], $0x2800  }
0x47: {  	[sflag:s16] =	ssyncset.done $0x0  }
0x48: {  	[sflag:s16] =	ssyncadd.s32 $0xFFFFD800  }
0x49: {  	_ =	swait.ge [sflag:s16], $0x2800  }
0x4a: {  	[sflag:s16] =	ssyncset.done $0x0  }
0x4b: {  	[sflag:s16] =	ssyncadd.s32 $0xFFFFD800  }
0x4c: {  	_ =	swait.ge [sflag:s16], $0x2800  }
0x4d: {  	[sflag:s16] =	ssyncset.done $0x0  }
0x4e: {  	[sflag:s16] =	ssyncadd.s32 $0xFFFFD800  }
0x4f: {  	_ =	swait.ge [sflag:s6], $0x2800  }
0x50: {  	[sflag:s6] =	ssyncset.done $0x0  }
0x51: {  	[sflag:s6] =	ssyncadd.s32 $0xFFFFD800  }
0x52: {  	_ =	swait.ge [sflag:s6], $0x2800  }
0x53: {  	[sflag:s6] =	ssyncset.done $0x0  }
0x54: {  	[sflag:s6] =	ssyncadd.s32 $0xFFFFD800  }
0x55: {  	_ =	swait.ge [sflag:s6], $0x2800  }
0x56: {  	[sflag:s6] =	ssyncset.done $0x0  }
0x57: {  	[sflag:s6] =	ssyncadd.s32 $0xFFFFD800  }
0x58: {  	_ =	swait.ge [sflag:s6], $0x2800  }
0x59: {  	[sflag:s6] =	ssyncset.done $0x0  }
0x5a: {  	[sflag:s6] =	ssyncadd.s32 $0xFFFFD800  }
0x5b: {  	[tilespmem:s22], [sflag:$0x1] =	stream.indirect.gather [hbm4b:s4+s21], $0x80, s29, s21, $0xb8;
	[tilespmem:$0x14200] =	vst v63  }
0x5c: {  	_ = 	snop  }
0x5d: {  	[tilespmem:s23], [sflag:$0x1] =	stream.indirect.gather [hbm4b:s3+s21], $0x80, s29, s21, $0xb8;
	[tilespmem:$0x14200] =	vst v63  }
0x5e: {  	_ = 	snop  }
0x5f: {  	[tilespmem:s24], [sflag:$0x1] =	stream.indirect.gather [hbm4b:s5+s21], $0x80, s29, s21, $0xb8;
	[tilespmem:$0x14200] =	vst v63  }
0x60: {  	_ = 	snop  }
0x61: {  	[tilespmem:s25], [sflag:$0x1] =	stream.indirect.gather [hbm4b:s7+s21], $0x80, s29, s21, $0xb8;
	[tilespmem:$0x14200] =	vst v63  }
0x62: {  	s0 =	rddreg [dreg:$0xc]  }
0x63: {  	[hbm4b:s0+s2] =	stream.linear.scatter [tilespmem:s17], [sflag:$0x2], $0x2800, $0x38;
	[tilespmem:$0x14200] =	vst v63  }
0x64: {  	s1 =	rddreg [dreg:$0xd]  }
0x65: {  	[hbm4b:s1+s2] =	stream.linear.scatter [tilespmem:s18], [sflag:$0x2], $0x2800, $0x38;
	[tilespmem:$0x14200] =	vst v63  }
0x66: {  	s0 =	rddreg [dreg:$0xe]  }
0x67: {  	[hbm4b:s0+s2] =	stream.linear.scatter [tilespmem:s19], [sflag:$0x2], $0x2800, $0x38;
	[tilespmem:$0x14200] =	vst v63  }
0x68: {  	_ = 	snop  }
0x69: {  	[hbm4b:s26+s2] =	stream.linear.scatter [tilespmem:s20], [sflag:$0x2], $0x2800, $0x38;
	[tilespmem:$0x14200] =	vst v63  }
0x6a: {  	_ =	swait.ge [sflag:s16], $0x2800  }
0x6b: {  	[sflag:s16] =	ssyncset.done $0x0  }
0x6c: {  	[sflag:s16] =	ssyncadd.s32 $0xFFFFD800  }
0x6d: {  	_ =	swait.ge [sflag:s16], $0x2800  }
0x6e: {  	[sflag:s16] =	ssyncset.done $0x0  }
0x6f: {  	[sflag:s16] =	ssyncadd.s32 $0xFFFFD800  }
0x70: {  	_ =	swait.ge [sflag:s16], $0x2800  }
0x71: {  	[sflag:s16] =	ssyncset.done $0x0  }
0x72: {  	[sflag:s16] =	ssyncadd.s32 $0xFFFFD800  }
0x73: {  	_ =	swait.ge [sflag:s16], $0x2800  }
0x74: {  	[sflag:s16] =	ssyncset.done $0x0  }
0x75: {  	[sflag:s16] =	ssyncadd.s32 $0xFFFFD800  }
0x76: {  	_ =	swait.ge [sflag:s6], $0x2800  }
0x77: {  	[sflag:s6] =	ssyncset.done $0x0  }
0x78: {  	[sflag:s6] =	ssyncadd.s32 $0xFFFFD800  }
0x79: {  	_ =	swait.ge [sflag:s6], $0x2800  }
0x7a: {  	[sflag:s6] =	ssyncset.done $0x0  }
0x7b: {  	[sflag:s6] =	ssyncadd.s32 $0xFFFFD800  }
0x7c: {  	_ =	swait.ge [sflag:s6], $0x2800  }
0x7d: {  	[sflag:s6] =	ssyncset.done $0x0  }
0x7e: {  	[sflag:s6] =	ssyncadd.s32 $0xFFFFD800  }
0x7f: {  	_ =	swait.ge [sflag:s6], $0x2800  }
0x80: {  	[sflag:s6] =	ssyncset.done $0x0  }
0x81: {  	[sflag:s6] =	ssyncadd.s32 $0xFFFFD800  }
0x82: {  	[tilespmem:s17], [sflag:$0x1] =	stream.indirect.gather [hbm4b:s4+s21], $0x80, s28, s21, $0xb8;
	[tilespmem:$0x14200] =	vst v63  }
0x83: {  	_ = 	snop  }
0x84: {  	[tilespmem:s18], [sflag:$0x1] =	stream.indirect.gather [hbm4b:s3+s21], $0x80, s28, s21, $0xb8;
	[tilespmem:$0x14200] =	vst v63  }
0x85: {  	_ = 	snop  }
0x86: {  	[tilespmem:s19], [sflag:$0x1] =	stream.indirect.gather [hbm4b:s5+s21], $0x80, s28, s21, $0xb8;
	[tilespmem:$0x14200] =	vst v63  }
0x87: {  	_ = 	snop  }
0x88: {  	[tilespmem:s20], [sflag:$0x1] =	stream.indirect.gather [hbm4b:s7+s21], $0x80, s28, s21, $0xb8;
	[tilespmem:$0x14200] =	vst v63  }
0x89: {  	_ = 	snop  }
0x8a: {  	[hbm4b:s12+s2] =	stream.linear.scatter [tilespmem:s22], [sflag:$0x2], $0x2800, $0x38;
	[tilespmem:$0x14200] =	vst v63  }
0x8b: {  	_ = 	snop  }
0x8c: {  	[hbm4b:s13+s2] =	stream.linear.scatter [tilespmem:s23], [sflag:$0x2], $0x2800, $0x38;
	[tilespmem:$0x14200] =	vst v63  }
0x8d: {  	_ = 	snop  }
0x8e: {  	[hbm4b:s14+s2] =	stream.linear.scatter [tilespmem:s24], [sflag:$0x2], $0x2800, $0x38;
	[tilespmem:$0x14200] =	vst v63  }
0x8f: {  	_ = 	snop  }
0x90: {  	[hbm4b:s15+s2] =	stream.linear.scatter [tilespmem:s25], [sflag:$0x2], $0x2800, $0x38;
	[tilespmem:$0x14200] =	vst v63  }
0x91: {  	_ =	swait.ge [sflag:s16], $0x2800  }
0x92: {  	[sflag:s16] =	ssyncset.done $0x0  }
0x93: {  	[sflag:s16] =	ssyncadd.s32 $0xFFFFD800  }
0x94: {  	_ =	swait.ge [sflag:s16], $0x2800  }
0x95: {  	[sflag:s16] =	ssyncset.done $0x0  }
0x96: {  	[sflag:s16] =	ssyncadd.s32 $0xFFFFD800  }
0x97: {  	_ =	swait.ge [sflag:s16], $0x2800  }
0x98: {  	[sflag:s16] =	ssyncset.done $0x0  }
0x99: {  	[sflag:s16] =	ssyncadd.s32 $0xFFFFD800  }
0x9a: {  	_ =	swait.ge [sflag:s16], $0x2800  }
0x9b: {  	[sflag:s16] =	ssyncset.done $0x0  }
0x9c: {  	[sflag:s16] =	ssyncadd.s32 $0xFFFFD800  }
0x9d: {  	[hbm4b:s8+s2] =	stream.linear.scatter [tilespmem:s17], [sflag:$0x2], $0x2800, $0x38;
	[tilespmem:$0x14200] =	vst v63  }
0x9e: {  	_ = 	snop  }
0x9f: {  	[hbm4b:s9+s2] =	stream.linear.scatter [tilespmem:s18], [sflag:$0x2], $0x2800, $0x38;
	[tilespmem:$0x14200] =	vst v63  }
0xa0: {  	_ = 	snop  }
0xa1: {  	[hbm4b:s10+s2] =	stream.linear.scatter [tilespmem:s19], [sflag:$0x2], $0x2800, $0x38;
	[tilespmem:$0x14200] =	vst v63  }
0xa2: {  	_ = 	snop  }
0xa3: {  	[hbm4b:s11+s2] =	stream.linear.scatter [tilespmem:s20], [sflag:$0x2], $0x2800, $0x38;
	[tilespmem:$0x14200] =	vst v63  }
0xa4: {  	_ =	swait.ge [sflag:s6], $0x2800  }
0xa5: {  	[sflag:s6] =	ssyncset.done $0x0  }
0xa6: {  	[sflag:s6] =	ssyncadd.s32 $0xFFFFD800  }
0xa7: {  	_ =	swait.ge [sflag:s6], $0x2800  }
0xa8: {  	[sflag:s6] =	ssyncset.done $0x0  }
0xa9: {  	[sflag:s6] =	ssyncadd.s32 $0xFFFFD800  }
0xaa: {  	_ =	swait.ge [sflag:s6], $0x2800  }
0xab: {  	[sflag:s6] =	ssyncset.done $0x0  }
0xac: {  	[sflag:s6] =	ssyncadd.s32 $0xFFFFD800  }
0xad: {  	_ =	swait.ge [sflag:s6], $0x2800  }
0xae: {  	[sflag:s6] =	ssyncset.done $0x0  }
0xaf: {  	[sflag:s6] =	ssyncadd.s32 $0xFFFFD800  }
0xb0: {  	_ =	swait.ge [sflag:s6], $0x2800  }
0xb1: {  	[sflag:s6] =	ssyncset.done $0x0  }
0xb2: {  	[sflag:s6] =	ssyncadd.s32 $0xFFFFD800  }
0xb3: {  	_ =	swait.ge [sflag:s6], $0x2800  }
0xb4: {  	[sflag:s6] =	ssyncset.done $0x0  }
0xb5: {  	[sflag:s6] =	ssyncadd.s32 $0xFFFFD800  }
0xb6: {  	_ =	swait.ge [sflag:s6], $0x2800  }
0xb7: {  	s1 =	rddreg [dreg:$0xf]  }
0xb8: {  	p1 =	sne.s32 s1, $0x1  }
.Ltmp1:
0xb9: {  	_ = 	snop;
	(pc) =	sbr.rel @!p1 .LBB2_3-.Ltmp1, $4  }
0xba: {  	[sflag:s6] =	ssyncset.done $0x0  }
0xbb: {  	[sflag:s6] =	ssyncadd.s32 $0xFFFFD800  }
0xbc: {  	p0 =	por $0x1, $0x1;
	_ =	swait.ge [sflag:s6], $0x2800  }
0xbd: {  	s1 =	sadd.s32 $0xFFFFFFFF, s1;
	s0 =	rddreg [dreg:$0x7];
	[sflag:s6] =	ssyncset.done $0x0  }
.LBB2_2:
0xbe: {  	[sflag:s6] =	ssyncadd.s32 $0xFFFFD800  }
0xbf: {  	[tilespmem:s2], [sflag:$0x3] =	stream.linear.gather [hbm4b:s0+s2], $0x200, $0x38;
	[tilespmem:$0x14200] =	vst v63  }
0xc0: {  	_ =	swait.ge [sflag:s31], $0x200  }
0xc1: {  	[sflag:s31] =	ssyncset.done $0x0  }
0xc2: {  	[sflag:s31] =	ssyncadd.s32 $0xFFFFFE00  }
0xc3: {  	[tilespmem:s22], [sflag:$0x1] =	stream.indirect.gather [hbm4b:s4+s21], $0x80, s2, s21, $0xb8;
	[tilespmem:$0x14200] =	vst v63  }
0xc4: {  	_ = 	snop  }
0xc5: {  	[tilespmem:s23], [sflag:$0x1] =	stream.indirect.gather [hbm4b:s3+s21], $0x80, s2, s21, $0xb8;
	[tilespmem:$0x14200] =	vst v63  }
0xc6: {  	_ = 	snop  }
0xc7: {  	[tilespmem:s24], [sflag:$0x1] =	stream.indirect.gather [hbm4b:s5+s21], $0x80, s2, s21, $0xb8;
	[tilespmem:$0x14200] =	vst v63  }
0xc8: {  	_ = 	snop  }
0xc9: {  	[tilespmem:s25], [sflag:$0x1] =	stream.indirect.gather [hbm4b:s7+s21], $0x80, s2, s21, $0xb8;
	[tilespmem:$0x14200] =	vst v63  }
0xca: {  	_ =	swait.ge [sflag:s16], $0x2800  }
0xcb: {  	[sflag:s16] =	ssyncset.done $0x0  }
0xcc: {  	[sflag:s16] =	ssyncadd.s32 $0xFFFFD800  }
0xcd: {  	_ =	swait.ge [sflag:s16], $0x2800  }
0xce: {  	[sflag:s16] =	ssyncset.done $0x0  }
0xcf: {  	[sflag:s16] =	ssyncadd.s32 $0xFFFFD800  }
0xd0: {  	_ =	swait.ge [sflag:s16], $0x2800  }
0xd1: {  	[sflag:s16] =	ssyncset.done $0x0  }
0xd2: {  	[sflag:s16] =	ssyncadd.s32 $0xFFFFD800  }
0xd3: {  	_ =	swait.ge [sflag:s16], $0x2800  }
0xd4: {  	[sflag:s16] =	ssyncset.done $0x0  }
0xd5: {  	[sflag:s16] =	ssyncadd.s32 $0xFFFFD800  }
0xd6: {  	[tilespmem:s17], [sflag:$0x1] =	stream.indirect.gather [hbm4b:s4+s21], $0x80, s30, s21, $0xb8;
	[tilespmem:$0x14200] =	vst v63  }
0xd7: {  	_ = 	snop  }
0xd8: {  	[tilespmem:s18], [sflag:$0x1] =	stream.indirect.gather [hbm4b:s3+s21], $0x80, s30, s21, $0xb8;
	[tilespmem:$0x14200] =	vst v63  }
0xd9: {  	s31 =	smov.u32 s26;
	s26 =	smov.u32 s15  }
0xda: {  	[tilespmem:s19], [sflag:$0x1] =	stream.indirect.gather [hbm4b:s5+s21], $0x80, s30, s21, $0xb8;
	[tilespmem:$0x14200] =	vst v63  }
0xdb: {  	s15 =	smov.u32 s14;
	s14 =	smov.u32 s13;
	s13 =	smov.u32 s12  }
0xdc: {  	[tilespmem:s20], [sflag:$0x1] =	stream.indirect.gather [hbm4b:s7+s21], $0x80, s30, s21, $0xb8;
	[tilespmem:$0x14200] =	vst v63  }
0xdd: {  	s12 =	smov.u32 s11;
	s11 =	smov.u32 s10;
	s0 =	rddreg [dreg:$0x8]  }
0xde: {  	[hbm4b:s0+s2] =	stream.linear.scatter [tilespmem:s22], [sflag:$0x2], $0x2800, $0x38;
	[tilespmem:$0x14200] =	vst v63  }
0xdf: {  	s10 =	smov.u32 s9;
	s9 =	smov.u32 s8;
	s8 =	rddreg [dreg:$0x9]  }
0xe0: {  	[hbm4b:s8+s2] =	stream.linear.scatter [tilespmem:s23], [sflag:$0x2], $0x2800, $0x38;
	[tilespmem:$0x14200] =	vst v63  }
0xe1: {  	s0 =	rddreg [dreg:$0xa]  }
0xe2: {  	[hbm4b:s0+s2] =	stream.linear.scatter [tilespmem:s24], [sflag:$0x2], $0x2800, $0x38;
	[tilespmem:$0x14200] =	vst v63  }
0xe3: {  	s8 =	rddreg [dreg:$0xb]  }
0xe4: {  	[hbm4b:s8+s2] =	stream.linear.scatter [tilespmem:s25], [sflag:$0x2], $0x2800, $0x38;
	[tilespmem:$0x14200] =	vst v63  }
0xe5: {  	_ =	swait.ge [sflag:s16], $0x2800  }
0xe6: {  	[sflag:s16] =	ssyncset.done $0x0  }
0xe7: {  	[sflag:s16] =	ssyncadd.s32 $0xFFFFD800  }
0xe8: {  	_ =	swait.ge [sflag:s16], $0x2800  }
0xe9: {  	[sflag:s16] =	ssyncset.done $0x0  }
0xea: {  	[sflag:s16] =	ssyncadd.s32 $0xFFFFD800  }
0xeb: {  	_ =	swait.ge [sflag:s16], $0x2800  }
0xec: {  	[sflag:s16] =	ssyncset.done $0x0  }
0xed: {  	[sflag:s16] =	ssyncadd.s32 $0xFFFFD800  }
0xee: {  	_ =	swait.ge [sflag:s16], $0x2800  }
0xef: {  	[sflag:s16] =	ssyncset.done $0x0  }
0xf0: {  	[sflag:s16] =	ssyncadd.s32 $0xFFFFD800  }
0xf1: {  	_ =	swait.ge [sflag:s6], $0x2800  }
0xf2: {  	[sflag:s6] =	ssyncset.done $0x0  }
0xf3: {  	[sflag:s6] =	ssyncadd.s32 $0xFFFFD800  }
0xf4: {  	_ =	swait.ge [sflag:s6], $0x2800  }
0xf5: {  	[sflag:s6] =	ssyncset.done $0x0  }
0xf6: {  	[sflag:s6] =	ssyncadd.s32 $0xFFFFD800  }
0xf7: {  	_ =	swait.ge [sflag:s6], $0x2800  }
0xf8: {  	[sflag:s6] =	ssyncset.done $0x0  }
0xf9: {  	[sflag:s6] =	ssyncadd.s32 $0xFFFFD800  }
0xfa: {  	_ =	swait.ge [sflag:s6], $0x2800  }
0xfb: {  	[sflag:s6] =	ssyncset.done $0x0  }
0xfc: {  	[sflag:s6] =	ssyncadd.s32 $0xFFFFD800  }
0xfd: {  	[tilespmem:s22], [sflag:$0x1] =	stream.indirect.gather [hbm4b:s4+s21], $0x80, s29, s21, $0xb8;
	[tilespmem:$0x14200] =	vst v63  }
0xfe: {  	_ = 	snop  }
0xff: {  	[tilespmem:s23], [sflag:$0x1] =	stream.indirect.gather [hbm4b:s3+s21], $0x80, s29, s21, $0xb8;
	[tilespmem:$0x14200] =	vst v63  }
0x100: {  	_ = 	snop  }
0x101: {  	[tilespmem:s24], [sflag:$0x1] =	stream.indirect.gather [hbm4b:s5+s21], $0x80, s29, s21, $0xb8;
	[tilespmem:$0x14200] =	vst v63  }
0x102: {  	s0 =	rddreg [dreg:$0xc]  }
0x103: {  	[tilespmem:s25], [sflag:$0x1] =	stream.indirect.gather [hbm4b:s7+s21], $0x80, s29, s21, $0xb8;
	[tilespmem:$0x14200] =	vst v63  }
0x104: {  	s8 =	rddreg [dreg:$0xd]  }
0x105: {  	[hbm4b:s0+s2] =	stream.linear.scatter [tilespmem:s17], [sflag:$0x2], $0x2800, $0x38;
	[tilespmem:$0x14200] =	vst v63  }
0x106: {  	s0 =	rddreg [dreg:$0xe]  }
0x107: {  	[hbm4b:s8+s2] =	stream.linear.scatter [tilespmem:s18], [sflag:$0x2], $0x2800, $0x38;
	[tilespmem:$0x14200] =	vst v63  }
0x108: {  	s8 =	smov.u32 s9;
	s9 =	smov.u32 s10;
	s10 =	smov.u32 s11  }
0x109: {  	s11 =	smov.u32 s12;
	s12 =	smov.u32 s13;
	s13 =	smov.u32 s14  }
0x10a: {  	[hbm4b:s0+s2] =	stream.linear.scatter [tilespmem:s19], [sflag:$0x2], $0x2800, $0x38;
	[tilespmem:$0x14200] =	vst v63  }
0x10b: {  	s14 =	smov.u32 s15;
	s15 =	smov.u32 s26;
	s26 =	smov.u32 s31  }
0x10c: {  	[hbm4b:s26+s2] =	stream.linear.scatter [tilespmem:s20], [sflag:$0x2], $0x2800, $0x38;
	[tilespmem:$0x14200] =	vst v63  }
0x10d: {  	_ =	swait.ge [sflag:s16], $0x2800  }
0x10e: {  	[sflag:s16] =	ssyncset.done $0x0  }
0x10f: {  	[sflag:s16] =	ssyncadd.s32 $0xFFFFD800  }
0x110: {  	_ =	swait.ge [sflag:s16], $0x2800  }
0x111: {  	[sflag:s16] =	ssyncset.done $0x0  }
0x112: {  	[sflag:s16] =	ssyncadd.s32 $0xFFFFD800  }
0x113: {  	_ =	swait.ge [sflag:s16], $0x2800  }
0x114: {  	[sflag:s16] =	ssyncset.done $0x0  }
0x115: {  	[sflag:s16] =	ssyncadd.s32 $0xFFFFD800  }
0x116: {  	_ =	swait.ge [sflag:s16], $0x2800  }
0x117: {  	[sflag:s16] =	ssyncset.done $0x0  }
0x118: {  	[sflag:s16] =	ssyncadd.s32 $0xFFFFD800  }
0x119: {  	_ =	swait.ge [sflag:s6], $0x2800  }
0x11a: {  	[sflag:s6] =	ssyncset.done $0x0  }
0x11b: {  	[sflag:s6] =	ssyncadd.s32 $0xFFFFD800  }
0x11c: {  	_ =	swait.ge [sflag:s6], $0x2800  }
0x11d: {  	[sflag:s6] =	ssyncset.done $0x0  }
0x11e: {  	[sflag:s6] =	ssyncadd.s32 $0xFFFFD800  }
0x11f: {  	_ =	swait.ge [sflag:s6], $0x2800  }
0x120: {  	[sflag:s6] =	ssyncset.done $0x0  }
0x121: {  	[sflag:s6] =	ssyncadd.s32 $0xFFFFD800  }
0x122: {  	_ =	swait.ge [sflag:s6], $0x2800  }
0x123: {  	[sflag:s6] =	ssyncset.done $0x0  }
0x124: {  	[sflag:s6] =	ssyncadd.s32 $0xFFFFD800  }
0x125: {  	[tilespmem:s17], [sflag:$0x1] =	stream.indirect.gather [hbm4b:s4+s21], $0x80, s28, s21, $0xb8;
	[tilespmem:$0x14200] =	vst v63  }
0x126: {  	_ = 	snop  }
0x127: {  	[tilespmem:s18], [sflag:$0x1] =	stream.indirect.gather [hbm4b:s3+s21], $0x80, s28, s21, $0xb8;
	[tilespmem:$0x14200] =	vst v63  }
0x128: {  	_ = 	snop  }
0x129: {  	[tilespmem:s19], [sflag:$0x1] =	stream.indirect.gather [hbm4b:s5+s21], $0x80, s28, s21, $0xb8;
	[tilespmem:$0x14200] =	vst v63  }
0x12a: {  	_ = 	snop  }
0x12b: {  	[tilespmem:s20], [sflag:$0x1] =	stream.indirect.gather [hbm4b:s7+s21], $0x80, s28, s21, $0xb8;
	[tilespmem:$0x14200] =	vst v63  }
0x12c: {  	_ = 	snop  }
0x12d: {  	[hbm4b:s12+s2] =	stream.linear.scatter [tilespmem:s22], [sflag:$0x2], $0x2800, $0x38;
	[tilespmem:$0x14200] =	vst v63  }
0x12e: {  	_ = 	snop  }
0x12f: {  	[hbm4b:s13+s2] =	stream.linear.scatter [tilespmem:s23], [sflag:$0x2], $0x2800, $0x38;
	[tilespmem:$0x14200] =	vst v63  }
0x130: {  	_ = 	snop  }
0x131: {  	[hbm4b:s14+s2] =	stream.linear.scatter [tilespmem:s24], [sflag:$0x2], $0x2800, $0x38;
	[tilespmem:$0x14200] =	vst v63  }
0x132: {  	_ = 	snop  }
0x133: {  	[hbm4b:s15+s2] =	stream.linear.scatter [tilespmem:s25], [sflag:$0x2], $0x2800, $0x38;
	[tilespmem:$0x14200] =	vst v63  }
0x134: {  	_ =	swait.ge [sflag:s16], $0x2800  }
0x135: {  	[sflag:s16] =	ssyncset.done $0x0  }
0x136: {  	[sflag:s16] =	ssyncadd.s32 $0xFFFFD800  }
0x137: {  	_ =	swait.ge [sflag:s16], $0x2800  }
0x138: {  	[sflag:s16] =	ssyncset.done $0x0  }
0x139: {  	[sflag:s16] =	ssyncadd.s32 $0xFFFFD800  }
0x13a: {  	_ =	swait.ge [sflag:s16], $0x2800  }
0x13b: {  	[sflag:s16] =	ssyncset.done $0x0  }
0x13c: {  	[sflag:s16] =	ssyncadd.s32 $0xFFFFD800  }
0x13d: {  	_ =	swait.ge [sflag:s16], $0x2800  }
0x13e: {  	[sflag:s16] =	ssyncset.done $0x0  }
0x13f: {  	[sflag:s16] =	ssyncadd.s32 $0xFFFFD800  }
0x140: {  	[hbm4b:s8+s2] =	stream.linear.scatter [tilespmem:s17], [sflag:$0x2], $0x2800, $0x38;
	[tilespmem:$0x14200] =	vst v63  }
0x141: {  	_ = 	snop  }
0x142: {  	[hbm4b:s9+s2] =	stream.linear.scatter [tilespmem:s18], [sflag:$0x2], $0x2800, $0x38;
	[tilespmem:$0x14200] =	vst v63  }
0x143: {  	_ = 	snop  }
0x144: {  	[hbm4b:s10+s2] =	stream.linear.scatter [tilespmem:s19], [sflag:$0x2], $0x2800, $0x38;
	[tilespmem:$0x14200] =	vst v63  }
0x145: {  	_ = 	snop  }
0x146: {  	[hbm4b:s11+s2] =	stream.linear.scatter [tilespmem:s20], [sflag:$0x2], $0x2800, $0x38;
	[tilespmem:$0x14200] =	vst v63  }
0x147: {  	_ =	swait.ge [sflag:s6], $0x2800  }
0x148: {  	[sflag:s6] =	ssyncset.done $0x0  }
0x149: {  	[sflag:s6] =	ssyncadd.s32 $0xFFFFD800  }
0x14a: {  	_ =	swait.ge [sflag:s6], $0x2800  }
0x14b: {  	[sflag:s6] =	ssyncset.done $0x0  }
0x14c: {  	[sflag:s6] =	ssyncadd.s32 $0xFFFFD800  }
0x14d: {  	_ =	swait.ge [sflag:s6], $0x2800  }
0x14e: {  	[sflag:s6] =	ssyncset.done $0x0  }
0x14f: {  	[sflag:s6] =	ssyncadd.s32 $0xFFFFD800  }
0x150: {  	_ =	swait.ge [sflag:s6], $0x2800  }
0x151: {  	[sflag:s6] =	ssyncset.done $0x0  }
0x152: {  	[sflag:s6] =	ssyncadd.s32 $0xFFFFD800  }
0x153: {  	_ =	swait.ge [sflag:s6], $0x2800  }
0x154: {  	[sflag:s6] =	ssyncset.done $0x0  }
0x155: {  	[sflag:s6] =	ssyncadd.s32 $0xFFFFD800  }
0x156: {  	_ =	swait.ge [sflag:s6], $0x2800  }
0x157: {  	[sflag:s6] =	ssyncset.done $0x0  }
0x158: {  	p1 =	sne.s32 s1, $0x1;
	[sflag:s6] =	ssyncadd.s32 $0xFFFFD800  }
.Ltmp2:
0x159: {  	_ =	swait.ge [sflag:s6], $0x2800;
	(pc) =	sbr.rel @p1 .LBB2_2-.Ltmp2, $4  }
0x15a: {  	[sflag:s6] =	ssyncset.done $0x0  }
0x15b: {  	[sflag:s6] =	ssyncadd.s32 $0xFFFFD800  }
0x15c: {  	s1 =	sadd.s32 $0xFFFFFFFF, s1;
	_ =	swait.ge [sflag:s6], $0x2800  }
0x15d: {  	s31 =	simm.s32 $0x3;
	s0 =	rddreg [dreg:$0x7];
	[sflag:s6] =	ssyncset.done $0x0  }
.LBB2_3:
0x15e: {  	[sflag:s6] =	ssyncadd.s32 @p0 $0xFFFFD800  }
0x15f: {  	[tilespmem:s2], [sflag:$0x3] =	stream.linear.gather [hbm4b:s0+s2], $0x200, $0x38;
	[tilespmem:$0x14200] =	vst v63  }
0x160: {  	_ =	swait.ge [sflag:s31], $0x200  }
0x161: {  	[sflag:s31] =	ssyncset.done $0x0  }
0x162: {  	[sflag:s31] =	ssyncadd.s32 $0xFFFFFE00  }
0x163: {  	[tilespmem:s22], [sflag:$0x1] =	stream.indirect.gather [hbm4b:s4+s21], $0x80, s2, s21, $0xb8;
	[tilespmem:$0x14200] =	vst v63  }
0x164: {  	_ = 	snop  }
0x165: {  	[tilespmem:s23], [sflag:$0x1] =	stream.indirect.gather [hbm4b:s3+s21], $0x80, s2, s21, $0xb8;
	[tilespmem:$0x14200] =	vst v63  }
0x166: {  	_ = 	snop  }
0x167: {  	[tilespmem:s24], [sflag:$0x1] =	stream.indirect.gather [hbm4b:s5+s21], $0x80, s2, s21, $0xb8;
	[tilespmem:$0x14200] =	vst v63  }
0x168: {  	_ = 	snop  }
0x169: {  	[tilespmem:s25], [sflag:$0x1] =	stream.indirect.gather [hbm4b:s7+s21], $0x80, s2, s21, $0xb8;
	[tilespmem:$0x14200] =	vst v63  }
0x16a: {  	_ =	swait.ge [sflag:s16], $0x2800  }
0x16b: {  	[sflag:s16] =	ssyncset.done $0x0  }
0x16c: {  	[sflag:s16] =	ssyncadd.s32 $0xFFFFD800  }
0x16d: {  	_ =	swait.ge [sflag:s16], $0x2800  }
0x16e: {  	[sflag:s16] =	ssyncset.done $0x0  }
0x16f: {  	[sflag:s16] =	ssyncadd.s32 $0xFFFFD800  }
0x170: {  	_ =	swait.ge [sflag:s16], $0x2800  }
0x171: {  	[sflag:s16] =	ssyncset.done $0x0  }
0x172: {  	[sflag:s16] =	ssyncadd.s32 $0xFFFFD800  }
0x173: {  	_ =	swait.ge [sflag:s16], $0x2800  }
0x174: {  	[sflag:s16] =	ssyncset.done $0x0  }
0x175: {  	[sflag:s16] =	ssyncadd.s32 $0xFFFFD800  }
0x176: {  	[tilespmem:s17], [sflag:$0x1] =	stream.indirect.gather [hbm4b:s4+s21], $0x80, s30, s21, $0xb8;
	[tilespmem:$0x14200] =	vst v63  }
0x177: {  	_ = 	snop  }
0x178: {  	[tilespmem:s18], [sflag:$0x1] =	stream.indirect.gather [hbm4b:s3+s21], $0x80, s30, s21, $0xb8;
	[tilespmem:$0x14200] =	vst v63  }
0x179: {  	_ = 	snop  }
0x17a: {  	[tilespmem:s19], [sflag:$0x1] =	stream.indirect.gather [hbm4b:s5+s21], $0x80, s30, s21, $0xb8;
	[tilespmem:$0x14200] =	vst v63  }
0x17b: {  	_ = 	snop  }
0x17c: {  	[tilespmem:s20], [sflag:$0x1] =	stream.indirect.gather [hbm4b:s7+s21], $0x80, s30, s21, $0xb8;
	[tilespmem:$0x14200] =	vst v63  }
0x17d: {  	s31 =	rddreg [dreg:$0x8]  }
0x17e: {  	[hbm4b:s31+s2] =	stream.linear.scatter [tilespmem:s22], [sflag:$0x2], $0x2800, $0x38;
	[tilespmem:$0x14200] =	vst v63  }
0x17f: {  	s1 =	rddreg [dreg:$0x9]  }
0x180: {  	[hbm4b:s1+s2] =	stream.linear.scatter [tilespmem:s23], [sflag:$0x2], $0x2800, $0x38;
	[tilespmem:$0x14200] =	vst v63  }
0x181: {  	s30 =	rddreg [dreg:$0xa]  }
0x182: {  	[hbm4b:s30+s2] =	stream.linear.scatter [tilespmem:s24], [sflag:$0x2], $0x2800, $0x38;
	[tilespmem:$0x14200] =	vst v63  }
0x183: {  	s31 =	rddreg [dreg:$0xb]  }
0x184: {  	[hbm4b:s31+s2] =	stream.linear.scatter [tilespmem:s25], [sflag:$0x2], $0x2800, $0x38;
	[tilespmem:$0x14200] =	vst v63  }
0x185: {  	_ =	swait.ge [sflag:s16], $0x2800  }
0x186: {  	[sflag:s16] =	ssyncset.done $0x0  }
0x187: {  	[sflag:s16] =	ssyncadd.s32 $0xFFFFD800  }
0x188: {  	_ =	swait.ge [sflag:s16], $0x2800  }
0x189: {  	[sflag:s16] =	ssyncset.done $0x0  }
0x18a: {  	[sflag:s16] =	ssyncadd.s32 $0xFFFFD800  }
0x18b: {  	_ =	swait.ge [sflag:s16], $0x2800  }
0x18c: {  	[sflag:s16] =	ssyncset.done $0x0  }
0x18d: {  	[sflag:s16] =	ssyncadd.s32 $0xFFFFD800  }
0x18e: {  	_ =	swait.ge [sflag:s16], $0x2800  }
0x18f: {  	[sflag:s16] =	ssyncset.done $0x0  }
0x190: {  	[sflag:s16] =	ssyncadd.s32 $0xFFFFD800  }
0x191: {  	_ =	swait.ge [sflag:s6], $0x2800  }
0x192: {  	[sflag:s6] =	ssyncset.done $0x0  }
0x193: {  	[sflag:s6] =	ssyncadd.s32 $0xFFFFD800  }
0x194: {  	_ =	swait.ge [sflag:s6], $0x2800  }
0x195: {  	[sflag:s6] =	ssyncset.done $0x0  }
0x196: {  	[sflag:s6] =	ssyncadd.s32 $0xFFFFD800  }
0x197: {  	_ =	swait.ge [sflag:s6], $0x2800  }
0x198: {  	[sflag:s6] =	ssyncset.done $0x0  }
0x199: {  	[sflag:s6] =	ssyncadd.s32 $0xFFFFD800  }
0x19a: {  	_ =	swait.ge [sflag:s6], $0x2800  }
0x19b: {  	[sflag:s6] =	ssyncset.done $0x0  }
0x19c: {  	[sflag:s6] =	ssyncadd.s32 $0xFFFFD800  }
0x19d: {  	[tilespmem:s22], [sflag:$0x1] =	stream.indirect.gather [hbm4b:s4+s21], $0x80, s29, s21, $0xb8;
	[tilespmem:$0x14200] =	vst v63  }
0x19e: {  	_ = 	snop  }
0x19f: {  	[tilespmem:s23], [sflag:$0x1] =	stream.indirect.gather [hbm4b:s3+s21], $0x80, s29, s21, $0xb8;
	[tilespmem:$0x14200] =	vst v63  }
0x1a0: {  	_ = 	snop  }
0x1a1: {  	[tilespmem:s24], [sflag:$0x1] =	stream.indirect.gather [hbm4b:s5+s21], $0x80, s29, s21, $0xb8;
	[tilespmem:$0x14200] =	vst v63  }
0x1a2: {  	_ = 	snop  }
0x1a3: {  	[tilespmem:s25], [sflag:$0x1] =	stream.indirect.gather [hbm4b:s7+s21], $0x80, s29, s21, $0xb8;
	[tilespmem:$0x14200] =	vst v63  }
0x1a4: {  	s1 =	rddreg [dreg:$0xc]  }
0x1a5: {  	[hbm4b:s1+s2] =	stream.linear.scatter [tilespmem:s17], [sflag:$0x2], $0x2800, $0x38;
	[tilespmem:$0x14200] =	vst v63  }
0x1a6: {  	s29 =	rddreg [dreg:$0xd]  }
0x1a7: {  	[hbm4b:s29+s2] =	stream.linear.scatter [tilespmem:s18], [sflag:$0x2], $0x2800, $0x38;
	[tilespmem:$0x14200] =	vst v63  }
0x1a8: {  	s30 =	rddreg [dreg:$0xe]  }
0x1a9: {  	[hbm4b:s30+s2] =	stream.linear.scatter [tilespmem:s19], [sflag:$0x2], $0x2800, $0x38;
	[tilespmem:$0x14200] =	vst v63  }
0x1aa: {  	_ = 	snop  }
0x1ab: {  	[hbm4b:s26+s2] =	stream.linear.scatter [tilespmem:s20], [sflag:$0x2], $0x2800, $0x38;
	[tilespmem:$0x14200] =	vst v63  }
0x1ac: {  	_ =	swait.ge [sflag:s16], $0x2800  }
0x1ad: {  	[sflag:s16] =	ssyncset.done $0x0  }
0x1ae: {  	[sflag:s16] =	ssyncadd.s32 $0xFFFFD800  }
0x1af: {  	_ =	swait.ge [sflag:s16], $0x2800  }
0x1b0: {  	[sflag:s16] =	ssyncset.done $0x0  }
0x1b1: {  	[sflag:s16] =	ssyncadd.s32 $0xFFFFD800  }
0x1b2: {  	_ =	swait.ge [sflag:s16], $0x2800  }
0x1b3: {  	[sflag:s16] =	ssyncset.done $0x0  }
0x1b4: {  	[sflag:s16] =	ssyncadd.s32 $0xFFFFD800  }
0x1b5: {  	_ =	swait.ge [sflag:s16], $0x2800  }
0x1b6: {  	[sflag:s16] =	ssyncset.done $0x0  }
0x1b7: {  	[sflag:s16] =	ssyncadd.s32 $0xFFFFD800  }
0x1b8: {  	_ =	swait.ge [sflag:s6], $0x2800  }
0x1b9: {  	[sflag:s6] =	ssyncset.done $0x0  }
0x1ba: {  	[sflag:s6] =	ssyncadd.s32 $0xFFFFD800  }
0x1bb: {  	_ =	swait.ge [sflag:s6], $0x2800  }
0x1bc: {  	[sflag:s6] =	ssyncset.done $0x0  }
0x1bd: {  	[sflag:s6] =	ssyncadd.s32 $0xFFFFD800  }
0x1be: {  	_ =	swait.ge [sflag:s6], $0x2800  }
0x1bf: {  	[sflag:s6] =	ssyncset.done $0x0  }
0x1c0: {  	[sflag:s6] =	ssyncadd.s32 $0xFFFFD800  }
0x1c1: {  	_ =	swait.ge [sflag:s6], $0x2800  }
0x1c2: {  	[sflag:s6] =	ssyncset.done $0x0  }
0x1c3: {  	[sflag:s6] =	ssyncadd.s32 $0xFFFFD800  }
0x1c4: {  	[tilespmem:s17], [sflag:$0x1] =	stream.indirect.gather [hbm4b:s4+s21], $0x80, s28, s21, $0xb8;
	[tilespmem:$0x14200] =	vst v63  }
0x1c5: {  	_ = 	snop  }
0x1c6: {  	[tilespmem:s18], [sflag:$0x1] =	stream.indirect.gather [hbm4b:s3+s21], $0x80, s28, s21, $0xb8;
	[tilespmem:$0x14200] =	vst v63  }
0x1c7: {  	_ = 	snop  }
0x1c8: {  	[tilespmem:s19], [sflag:$0x1] =	stream.indirect.gather [hbm4b:s5+s21], $0x80, s28, s21, $0xb8;
	[tilespmem:$0x14200] =	vst v63  }
0x1c9: {  	_ = 	snop  }
0x1ca: {  	[tilespmem:s20], [sflag:$0x1] =	stream.indirect.gather [hbm4b:s7+s21], $0x80, s28, s21, $0xb8;
	[tilespmem:$0x14200] =	vst v63  }
0x1cb: {  	_ = 	snop  }
0x1cc: {  	[hbm4b:s12+s2] =	stream.linear.scatter [tilespmem:s22], [sflag:$0x2], $0x2800, $0x38;
	[tilespmem:$0x14200] =	vst v63  }
0x1cd: {  	_ = 	snop  }
0x1ce: {  	[hbm4b:s13+s2] =	stream.linear.scatter [tilespmem:s23], [sflag:$0x2], $0x2800, $0x38;
	[tilespmem:$0x14200] =	vst v63  }
0x1cf: {  	_ = 	snop  }
0x1d0: {  	[hbm4b:s14+s2] =	stream.linear.scatter [tilespmem:s24], [sflag:$0x2], $0x2800, $0x38;
	[tilespmem:$0x14200] =	vst v63  }
0x1d1: {  	_ = 	snop  }
0x1d2: {  	[hbm4b:s15+s2] =	stream.linear.scatter [tilespmem:s25], [sflag:$0x2], $0x2800, $0x38;
	[tilespmem:$0x14200] =	vst v63  }
0x1d3: {  	_ =	swait.ge [sflag:s16], $0x2800  }
0x1d4: {  	[sflag:s16] =	ssyncset.done $0x0  }
0x1d5: {  	[sflag:s16] =	ssyncadd.s32 $0xFFFFD800  }
0x1d6: {  	_ =	swait.ge [sflag:s16], $0x2800  }
0x1d7: {  	[sflag:s16] =	ssyncset.done $0x0  }
0x1d8: {  	[sflag:s16] =	ssyncadd.s32 $0xFFFFD800  }
0x1d9: {  	_ =	swait.ge [sflag:s16], $0x2800  }
0x1da: {  	[sflag:s16] =	ssyncset.done $0x0  }
0x1db: {  	[sflag:s16] =	ssyncadd.s32 $0xFFFFD800  }
0x1dc: {  	_ =	swait.ge [sflag:s16], $0x2800  }
0x1dd: {  	[sflag:s16] =	ssyncset.done $0x0  }
0x1de: {  	[sflag:s16] =	ssyncadd.s32 $0xFFFFD800  }
0x1df: {  	[hbm4b:s8+s2] =	stream.linear.scatter [tilespmem:s17], [sflag:$0x2], $0x2800, $0x38;
	[tilespmem:$0x14200] =	vst v63  }
0x1e0: {  	_ = 	snop  }
0x1e1: {  	[hbm4b:s9+s2] =	stream.linear.scatter [tilespmem:s18], [sflag:$0x2], $0x2800, $0x38;
	[tilespmem:$0x14200] =	vst v63  }
0x1e2: {  	_ = 	snop  }
0x1e3: {  	[hbm4b:s10+s2] =	stream.linear.scatter [tilespmem:s19], [sflag:$0x2], $0x2800, $0x38;
	[tilespmem:$0x14200] =	vst v63  }
0x1e4: {  	_ = 	snop  }
0x1e5: {  	[hbm4b:s11+s2] =	stream.linear.scatter [tilespmem:s20], [sflag:$0x2], $0x2800, $0x38;
	[tilespmem:$0x14200] =	vst v63  }
0x1e6: {  	_ =	swait.ge [sflag:s6], $0x2800  }
0x1e7: {  	[sflag:s6] =	ssyncset.done $0x0  }
0x1e8: {  	[sflag:s6] =	ssyncadd.s32 $0xFFFFD800  }
0x1e9: {  	_ =	swait.ge [sflag:s6], $0x2800  }
0x1ea: {  	[sflag:s6] =	ssyncset.done $0x0  }
0x1eb: {  	[sflag:s6] =	ssyncadd.s32 $0xFFFFD800  }
0x1ec: {  	_ =	swait.ge [sflag:s6], $0x2800  }
0x1ed: {  	[sflag:s6] =	ssyncset.done $0x0  }
0x1ee: {  	[sflag:s6] =	ssyncadd.s32 $0xFFFFD800  }
0x1ef: {  	_ =	swait.ge [sflag:s6], $0x2800  }
0x1f0: {  	[sflag:s6] =	ssyncset.done $0x0  }
0x1f1: {  	[sflag:s6] =	ssyncadd.s32 $0xFFFFD800  }
0x1f2: {  	_ =	swait.ge [sflag:s6], $0x2800  }
0x1f3: {  	[sflag:s6] =	ssyncset.done $0x0  }
0x1f4: {  	[sflag:s6] =	ssyncadd.s32 $0xFFFFD800  }
0x1f5: {  	_ =	swait.ge [sflag:s6], $0x2800  }
0x1f6: {  	[sflag:s6] =	ssyncset.done $0x0  }
0x1f7: {  	[sflag:s6] =	ssyncadd.s32 $0xFFFFD800  }
0x1f8: {  	_ =	swait.ge [sflag:s6], $0x2800  }
0x1f9: {  	[sflag:s6] =	ssyncset.done $0x0  }
0x1fa: {  	[sflag:s6] =	ssyncadd.s32 $0xFFFFD800  }
0x1fb: {  	_ =	swait.ge [sflag:s6], $0x2800  }
0x1fc: {  	[sflag:s6] =	ssyncset.done $0x0  }
0x1fd: {  	[sflag:s6] =	ssyncadd.s32 $0xFFFFD800  }
0x1fe: {  	_ =	sfence.sel $0x180000  }
0x1ff: {  	[bflag:$0x0] =	sbarrier.arrive $0xFFFF  }
0x200: {  	_ =	strace $0x90000047  }
0x201: {  	s31 =	stileid.u32;
	[bflag:$0x2] =	sbarrier.arrive $0xFFFF  }
0x202: {  	p0 =	sne.s32 s31, $0x0;
	s0 =	rddreg [dreg:$0x6]  }
0x203: {  	s0 =	sadd.s32 @!p0 $0x100000, s0  }
0x204: {  	[sflag:s0] =	ssyncadd.tile.s32 @!p0 $0x1;
	_ =	shalt  }
.Lfunc_end2:
_tile_overlayer_lowered:
.L_overlay_start_2:
0x205: {  	(tag) =	ssettag $0x2  }
0x206: {  	s0 =	rddreg [dreg:$0x0];
	s2 =	stileid.u32  }
0x207: {  	s1 =	rddreg [dreg:$0x1];
	p0 =	sne.s32 s2, $0x0  }
0x208: {  	s3 =	rddreg [dreg:$0x2];
	[bflag:$0x3] =	sbarrier.arrive $0xFFFF;
	s2 =	simm.s32 @!p0 $0x1C03  }
0x209: {  	[timem:s3], [sflag:s2] =	dma.local @!p0 [hbm:s0], s1  }
0x20a: {  	s0 =	simm.s32 @!p0 $0x3  }
0x20b: {  	_ =	swait.ge @!p0 [sflag:s0], s1  }
0x20c: {  	s1 =	ssub.s32 @!p0 $0x0, s1;
	[sflag:s0] =	ssyncset.done @!p0 $0x0  }
0x20d: {  	[sflag:s0] =	ssyncadd.s32 @!p0 s1  }
0x20e: {  	[bflag:$0x3] =	sbarrier.arrive $0xFFFF  }
0x20f: {  	_ =	shalt  }

</sc_bundles>
